<compile_context>
chip_gen: v7x
topology: tpu7x:2x2x1
jax: 0.10.2.dev20260603
libtpu: 0.0.44.dev20260713+nightly
codegen_flags: <defaults>
</compile_context>

<pallas_src>
import dataclasses
import functools

import jax
import jax.numpy as jnp
from jax.experimental import pallas as pl
from jax.experimental.pallas import tpu as pltpu
from jax.experimental.pallas import tpu_sc as plsc

B, C, H, W = 16, 5, 512, 512
HW = H * W

_NB = 1024
_LO = -4.0
_BW = 8.0 / _NB
_LANES = 16


def _sc_thresholds(predictions, ground_truth):
    mesh = plsc.VectorSubcoreMesh(core_axis_name="c", subcore_axis_name="s")
    cp = pltpu.CompilerParams()
    if "needs_layout_passes" in pltpu.CompilerParams.__dataclass_fields__:
        cp = dataclasses.replace(cp, needs_layout_passes=False)

    @functools.partial(
        pl.kernel,
        out_type=jax.ShapeDtypeStruct((B, _LANES), jnp.float32),
        mesh=mesh,
        compiler_params=cp,
        scratch_types=[
            pltpu.VMEM((16, W), jnp.float32),
            pltpu.VMEM((16, W), jnp.float32),
            pltpu.VMEM((16, W), jnp.float32),
            pltpu.VMEM((16, W), jnp.float32),
            pltpu.SemaphoreType.DMA,
            pltpu.SemaphoreType.DMA,
            pltpu.SemaphoreType.DMA,
            pltpu.SemaphoreType.DMA,
            pltpu.VMEM((_LANES, _NB + 1), jnp.float32),
            pltpu.VMEM((W // _LANES, _LANES), jnp.float32),
            pltpu.VMEM((_NB + _LANES,), jnp.float32),
            pltpu.VMEM((_NB + _LANES,), jnp.float32),
            pltpu.VMEM((_LANES,), jnp.float32),
            pltpu.VMEM_SHARED((16, _NB + _LANES), jnp.float32),
        ],
    )
    def sck(pred_hbm, gt_hbm, out_hbm, pbuf_a, gbuf_a, pbuf_b, gbuf_b,
            sem_pa, sem_ga, sem_pb, sem_gb, hist, yacc, mine, other,
            tvec, shared):
        c = jax.lax.axis_index("c")
        s = jax.lax.axis_index("s")
        i = c * 8 + s // 2
        h = s % 2
        row0 = h * (H // 2)

        zeros16 = jnp.zeros((_LANES,), jnp.float32)
        ones16 = jnp.ones((_LANES,), jnp.float32)
        lane_ids = jax.lax.iota(jnp.int32, _LANES)

        @plsc.parallel_loop(0, _NB, step=_LANES)
        def _(j):
            for l in range(_LANES):
                hist[l, pl.ds(j, _LANES)] = zeros16

        @plsc.parallel_loop(0, W // _LANES)
        def _(cc):
            yacc[cc] = zeros16

        def p_copy(jc, buf, sem):
            r = row0 + jc * 16
            return pltpu.make_async_copy(
                pred_hbm.at[i, 0, pl.ds(r, 16), :], buf, sem)

        def g_copy(jc, buf, sem):
            r = row0 + jc * 16
            return pltpu.make_async_copy(
                gt_hbm.at[i, 0, pl.ds(r, 16), :], buf, sem)

        def compute_chunk(pbuf, gbuf):
            def row_body(rr, __):
                @plsc.parallel_loop(0, W // _LANES, unroll=8)
                def _(cc):
                    p = pbuf[rr, pl.ds(cc * _LANES, _LANES)]
                    g = gbuf[rr, pl.ds(cc * _LANES, _LANES)]
                    flat = p * (jnp.float32(1.001) - g)
                    idxf = (flat - jnp.float32(_LO)) * jnp.float32(1.0 / _BW)
                    idxf = jnp.minimum(jnp.maximum(idxf, 0.0),
                                       jnp.float32(_NB - 1))
                    idx = idxf.astype(jnp.int32)
                    plsc.addupdate_scatter(hist, [lane_ids, idx], ones16)
                    plsc.addupdate(yacc.at[cc], g)
                return 0

            jax.lax.fori_loop(0, 16, row_body, 0)

        p_copy(0, pbuf_a, sem_pa).start()
        g_copy(0, gbuf_a, sem_ga).start()

        def chunk_pair(jp, _):
            ja = jp * 2
            p_copy(ja + 1, pbuf_b, sem_pb).start()
            g_copy(ja + 1, gbuf_b, sem_gb).start()
            p_copy(ja, pbuf_a, sem_pa).wait()
            g_copy(ja, gbuf_a, sem_ga).wait()
            compute_chunk(pbuf_a, gbuf_a)

            @pl.when(jp < H // 64 - 1)
            def _():
                p_copy(ja + 2, pbuf_a, sem_pa).start()
                g_copy(ja + 2, gbuf_a, sem_ga).start()

            p_copy(ja + 1, pbuf_b, sem_pb).wait()
            g_copy(ja + 1, gbuf_b, sem_gb).wait()
            compute_chunk(pbuf_b, gbuf_b)
            return 0

        jax.lax.fori_loop(0, H // 64, chunk_pair, 0)

        def ymerge(cc, acc):
            return acc + yacc[cc]

        mine[pl.ds(_NB, _LANES)] = jax.lax.fori_loop(
            0, W // _LANES, ymerge, zeros16)

        @plsc.parallel_loop(0, _NB, step=_LANES, unroll=2)
        def _(j):
            acc = hist[0, pl.ds(j, _LANES)]
            for l in range(1, _LANES):
                acc = acc + hist[l, pl.ds(j, _LANES)]
            mine[pl.ds(j, _LANES)] = acc

        @pl.when(h == 1)
        def _():
            pltpu.sync_copy(mine, shared.at[s])

        plsc.subcore_barrier()

        @pl.when(h == 0)
        def _():
            pltpu.sync_copy(shared.at[s + 1], other)
            ys = mine[pl.ds(_NB, _LANES)] + other[pl.ds(_NB, _LANES)]
            kf = jnp.sum(ys).astype(jnp.int32).astype(jnp.float32)

            def sel_body(jj, carry):
                tot, best = carry
                j = _NB - _LANES - jj * _LANES
                v = mine[pl.ds(j, _LANES)] + other[pl.ds(j, _LANES)]
                rv = jax.lax.rev(v, (0,))
                suff = plsc.cumsum(rv) + tot
                m = jnp.max(plsc.all_reduce_ffs(suff >= kf))
                found_bin = j + (_LANES - 1) - m
                best = jnp.where((m < _LANES) & (best < 0), found_bin, best)
                return (tot + jnp.sum(v), best)

            _, bsel = jax.lax.fori_loop(
                0, _NB // _LANES, sel_body,
                (jnp.float32(0.0), jnp.int32(-1)))
            bsel = jnp.maximum(bsel, 0)
            t = jnp.float32(_LO) + bsel.astype(jnp.float32) * jnp.float32(_BW)
            tvec[...] = jnp.broadcast_to(t, (_LANES,))
            pltpu.sync_copy(tvec, out_hbm.at[i])

    return sck(predictions, ground_truth)


def _softplus(x):
    return jnp.maximum(x, 0.0) + jnp.log1p(jnp.exp(-jnp.abs(x)))


def _dense_kernel(pred_ref, gt_ref, out_ref):
    i = pl.program_id(0)
    x0 = pred_ref[0, 0]
    y0 = gt_ref[0, 0]
    negm = (1.0 - y0) + 0.001
    sp_x0 = _softplus(x0)
    bce = sp_x0 - x0 * y0

    s_y = jnp.sum(y0)
    s_bce_y = jnp.sum(bce * y0)
    s_bce_n = jnp.sum(bce * negm)

    xc = pred_ref[0, 1:, :, :]
    gc = gt_ref[0, 1:, :, :]
    lse = jnp.log(jnp.sum(jnp.exp(xc), axis=0))
    lc_elem = lse * jnp.sum(gc, axis=0) - jnp.sum(gc * xc, axis=0)
    s_lc = jnp.sum(lc_elem * y0)

    out_ref[i, 0] = s_y
    out_ref[i, 1] = s_bce_y
    out_ref[i, 2] = s_bce_n
    out_ref[i, 3] = s_lc


def _lh_kernel(thr_ref, stats_ref, pred_ref, gt_ref, out_ref):
    i = pl.program_id(0)
    x0 = pred_ref[0, 0]
    y0 = gt_ref[0, 0]
    flat = x0 * ((1.0 - y0) + 0.001)
    k = stats_ref[i, 0].astype(jnp.int32)
    kf = k.astype(jnp.float32)
    t = thr_ref[i, 0]
    above = flat > t
    c1 = jnp.sum(above.astype(jnp.float32))
    sum_above = jnp.sum(jnp.where(above, _softplus(flat), 0.0))
    lh_i = (sum_above + (kf - c1) * _softplus(t)) / jnp.maximum(kf, 1.0)
    lh_i = jnp.where(k > 0, lh_i, 0.0)

    @pl.when(i == 0)
    def _():
        out_ref[1] = jnp.float32(0.0)

    out_ref[1] += lh_i

    @pl.when(i == B - 1)
    def _():
        s_y = jnp.float32(0.0)
        s_bce_y = jnp.float32(0.0)
        s_bce_n = jnp.float32(0.0)
        s_lc = jnp.float32(0.0)
        for j in range(B):
            s_y += stats_ref[j, 0]
            s_bce_y += stats_ref[j, 1]
            s_bce_n += stats_ref[j, 2]
            s_lc += stats_ref[j, 3]
        non_zero = s_y + 0.001
        zero_elements = jnp.float32(B * HW) * 1.001 - s_y
        Lp = 15.0 * s_bce_y / non_zero
        Ln = s_bce_n / zero_elements
        Lh = 5.0 * (out_ref[1] / B)
        Lc = s_lc / non_zero
        out_ref[0] = Lp + Ln + Lh + Lc


@jax.jit
def kernel(predictions, ground_truth):
    thr = _sc_thresholds(predictions, ground_truth)

    stats = pl.pallas_call(
        _dense_kernel,
        grid=(B,),
        in_specs=[
            pl.BlockSpec((1, C, H, W), lambda i: (i, 0, 0, 0)),
            pl.BlockSpec((1, C, H, W), lambda i: (i, 0, 0, 0)),
        ],
        out_specs=pl.BlockSpec(memory_space=pltpu.SMEM),
        out_shape=jax.ShapeDtypeStruct((B, 8), jnp.float32),
        compiler_params=pltpu.CompilerParams(
            dimension_semantics=("arbitrary",),
        ),
    )(predictions, ground_truth)

    out = pl.pallas_call(
        _lh_kernel,
        grid=(B,),
        in_specs=[
            pl.BlockSpec(memory_space=pltpu.SMEM),
            pl.BlockSpec(memory_space=pltpu.SMEM),
            pl.BlockSpec((1, 1, H, W), lambda i: (i, 0, 0, 0)),
            pl.BlockSpec((1, 1, H, W), lambda i: (i, 0, 0, 0)),
        ],
        out_specs=pl.BlockSpec(memory_space=pltpu.SMEM),
        out_shape=jax.ShapeDtypeStruct((8,), jnp.float32),
        compiler_params=pltpu.CompilerParams(
            dimension_semantics=("arbitrary",),
        ),
    )(thr, stats, predictions, ground_truth)

    return out[0]

# --- scband reference (transcript-rebuilt; emitter-appended) ---
"""Pipeline reference for scband-zharkov-loss-53188874994241 (READ-ONLY COPY).

The authoritative reference and input builder live on the scoring server;
editing this copy changes nothing except your own understanding.
"""

import jax, jax.numpy as jnp
import numpy as np

B, C, H, W = 16, 5, 512, 512

def setup_inputs(seed: int = 0):
    key = jax.random.key(seed)
    k1, k2 = jax.random.split(key, 2)
    predictions = jax.random.normal(k1, (B, C, H, W), dtype=jnp.float32)
    ground_truth = jax.random.uniform(k2, (B, C, H, W), dtype=jnp.float32)
    return {"predictions": predictions, "ground_truth": ground_truth}

def _bce_with_logits(x, y):
    # numerically stable: softplus(x) - x*y
    return jnp.logaddexp(0.0, x) - x * y

def reference(predictions, ground_truth):
    x0 = predictions[:, 0, :, :]
    y0 = ground_truth[:, 0, :, :]
    bce_loss = _bce_with_logits(x0, y0)
    # Lp: positive term
    non_zero_elements = y0.sum() + 0.001
    Lp = (bce_loss * y0).sum() / non_zero_elements
    Lp = 15.0 * Lp
    # Ln: negative term
    negative_mask = 1.0 - y0 + 0.001
    zero_elements = negative_mask.sum()
    Ln = (bce_loss * negative_mask).sum() / zero_elements
    Ln = 1.0 * Ln
    # Lh: hard-negative mining via per-sample top-k (data-dependent k, eager loop)
    Lh = 0.0
    HW = H * W
    positions = jnp.arange(HW)
    for i in range(B):
        k = ground_truth[i, 0, :, :].sum().astype(jnp.int32)  # truncation like torch .int()
        flat = (predictions[i, 0, :, :] * negative_mask[i]).ravel()
        values, _ = jax.lax.top_k(flat, HW)
        mask = (positions < k).astype(values.dtype)
        # BCEWithLogits(values, zeros) mean = mean(softplus(values))
        topk_mean = (jnp.logaddexp(0.0, values) * mask).sum() / jnp.maximum(k, 1).astype(values.dtype)
        Lh = Lh + jnp.where(k > 0, topk_mean, 0.0)
    Lh = 5.0 * (Lh / B)
    # Lc: soft-label cross entropy over channels 1: (torch F.cross_entropy with prob targets)
    logp = jax.nn.log_softmax(predictions[:, 1:, :, :], axis=1)
    Lc = -(ground_truth[:, 1:, :, :] * logp).sum(axis=1)
    Lc = (Lc * y0).sum() / non_zero_elements
    return Lp + Ln + Lh + Lc

if __name__ == "__main__":
    import jax
    _d = setup_inputs()
    print(jax.jit(kernel)(*tuple(_d.values())))

</pallas_src>

<mosaic_0001>
#map = affine_map<(d0, d1) -> (0, 0, 0, 0)>
#map1 = affine_map<(d0, d1) -> (0, 0)>
module attributes {stable_mosaic.version = 14 : i64} {
  func.func @sck(%arg0: i32, %arg1: i32, %arg2: memref<16x5x512x512xf32, #tpu.memory_space<hbm>>, %arg3: memref<16x5x512x512xf32, #tpu.memory_space<hbm>>, %arg4: memref<16x16xf32, #tpu.memory_space<hbm>>, %arg5: memref<16x512xf32, #tpu.memory_space<vmem>>, %arg6: memref<16x512xf32, #tpu.memory_space<vmem>>, %arg7: memref<16x512xf32, #tpu.memory_space<vmem>>, %arg8: memref<16x512xf32, #tpu.memory_space<vmem>>, %arg9: memref<!tpu.dma_semaphore, #tpu.memory_space<semaphore_mem>>, %arg10: memref<!tpu.dma_semaphore, #tpu.memory_space<semaphore_mem>>, %arg11: memref<!tpu.dma_semaphore, #tpu.memory_space<semaphore_mem>>, %arg12: memref<!tpu.dma_semaphore, #tpu.memory_space<semaphore_mem>>, %arg13: memref<16x1025xf32, #tpu.memory_space<vmem>>, %arg14: memref<32x16xf32, #tpu.memory_space<vmem>>, %arg15: memref<1040xf32, #tpu.memory_space<vmem>>, %arg16: memref<1040xf32, #tpu.memory_space<vmem>>, %arg17: memref<16xf32, #tpu.memory_space<vmem>>, %arg18: memref<16x1040xf32, #tpu.memory_space<vmem_shared>>) attributes {dimension_semantics = [#tpu.dimension_semantics<core_parallel>, #tpu.dimension_semantics<subcore_parallel>], iteration_bounds = array<i64: 2, 16>, scalar_prefetch = 0 : i64, scratch_operands = 14 : i64, tpu.core_type = #tpu.core_type<sc_vector_subcore>, window_params = [{transform_indices = #map}, {transform_indices = #map}, {transform_indices = #map1}]} {
    %mul3A = arith.constant 8 : i32
    %mul3A_0 = arith.muli %arg0, %mul3A : i32
    %jit3A = arith.constant 2 : i32
    %div3A = arith.divsi %arg1, %jit3A : i32
    %sign3A = arith.constant 0 : i32
    %sign3A_1 = arith.cmpi sgt, %arg1, %sign3A : i32
    %sign3A_2 = arith.extui %sign3A_1 : i1 to i32
    %sign3A_3 = arith.constant 0 : i32
    %sign3A_4 = arith.cmpi slt, %arg1, %sign3A_3 : i32
    %sign3A_5 = arith.extui %sign3A_4 : i1 to i32
    %sign3A_6 = arith.subi %sign3A_2, %sign3A_5 : i32
    %sign3A_7 = arith.constant 0 : i32
    %sign3A_8 = arith.cmpi sgt, %jit3A, %sign3A_7 : i32
    %sign3A_9 = arith.extui %sign3A_8 : i1 to i32
    %sign3A_10 = arith.constant 0 : i32
    %sign3A_11 = arith.cmpi slt, %jit3A, %sign3A_10 : i32
    %sign3A_12 = arith.extui %sign3A_11 : i1 to i32
    %sign3A_13 = arith.subi %sign3A_9, %sign3A_12 : i32
    %ne3A = arith.cmpi ne, %sign3A_6, %sign3A_13 : i32
    %rem3A = arith.remsi %arg1, %jit3A : i32
    %ne3A_14 = arith.constant 0 : i32
    %ne3A_15 = arith.cmpi ne, %rem3A, %ne3A_14 : i32
    %and3A = arith.andi %ne3A, %ne3A_15 : i1
    %sub3A = arith.constant 1 : i32
    %sub3A_16 = arith.subi %div3A, %sub3A : i32
    %select_n3A = arith.select %and3A, %sub3A_16, %div3A : i32
    %add3A = arith.addi %mul3A_0, %select_n3A : i32
    %jit3A_17 = arith.constant 2 : i32
    %eq3A = arith.constant 0 : i32
    %eq3A_18 = arith.cmpi eq, %jit3A_17, %eq3A : i32
    %jit3A_19 = arith.constant 1 : i32
    %select_n3A_20 = arith.select %eq3A_18, %jit3A_19, %jit3A_17 : i32
    %rem3A_21 = arith.remsi %arg1, %select_n3A_20 : i32
    %ne3A_22 = arith.constant 0 : i32
    %ne3A_23 = arith.cmpi ne, %rem3A_21, %ne3A_22 : i32
    %lt3A = arith.constant 0 : i32
    %lt3A_24 = arith.cmpi slt, %rem3A_21, %lt3A : i32
    %lt3A_25 = arith.constant 0 : i32
    %lt3A_26 = arith.cmpi slt, %select_n3A_20, %lt3A_25 : i32
    %ne3A_27 = arith.xori %lt3A_24, %lt3A_26 : i1
    %and3A_28 = arith.andi %ne3A_27, %ne3A_23 : i1
    %add3A_29 = arith.addi %rem3A_21, %select_n3A_20 : i32
    %select_n3A_30 = arith.select %and3A_28, %add3A_29, %rem3A_21 : i32
    %mul3A_31 = arith.constant 256 : i32
    %mul3A_32 = arith.muli %select_n3A_30, %mul3A_31 : i32
    %broadcast_in_dim3A = arith.constant 0.000000e+00 : f32
    %broadcast_in_dim3A_33 = vector.broadcast %broadcast_in_dim3A : f32 to vector<16xf32>
    %broadcast_in_dim3A_34 = arith.constant 1.000000e+00 : f32
    %broadcast_in_dim3A_35 = vector.broadcast %broadcast_in_dim3A_34 : f32 to vector<16xf32>
    %iota3A = tpu.iota {dimensions = array<i32: 0>} : vector<16xi32>
    %parallel_loop3A = arith.constant 0 : i32
    %parallel_loop3A_36 = arith.constant 1024 : i32
    %parallel_loop3A_37 = arith.constant 16 : i32
    scf.for %parallel_loop3A_82 = %parallel_loop3A to %parallel_loop3A_36 step %parallel_loop3A_37  : i32 {
      %parallel_loop3A_83 = arith.constant 0 : i32
      %parallel_loop3A_84 = arith.index_cast %parallel_loop3A_83 : i32 to index
      %parallel_loop3A_85 = arith.index_cast %parallel_loop3A_82 : i32 to index
      %parallel_loop3A_86 = tpu.vector_load %arg13[%parallel_loop3A_84, %parallel_loop3A_85] {strides = array<i32>} : memref<16x1025xf32, #tpu.memory_space<vmem>>, vector<16xf32>,
      tpu.vector_store %arg13[%parallel_loop3A_84, %parallel_loop3A_85], %broadcast_in_dim3A_33 {strides = array<i32>} : memref<16x1025xf32, #tpu.memory_space<vmem>>, vector<16xf32>,
      %parallel_loop3A_87 = arith.constant 1 : i32
      %parallel_loop3A_88 = arith.index_cast %parallel_loop3A_87 : i32 to index
      %parallel_loop3A_89 = arith.index_cast %parallel_loop3A_82 : i32 to index
      %parallel_loop3A_90 = tpu.vector_load %arg13[%parallel_loop3A_88, %parallel_loop3A_89] {strides = array<i32>} : memref<16x1025xf32, #tpu.memory_space<vmem>>, vector<16xf32>,
      tpu.vector_store %arg13[%parallel_loop3A_88, %parallel_loop3A_89], %broadcast_in_dim3A_33 {strides = array<i32>} : memref<16x1025xf32, #tpu.memory_space<vmem>>, vector<16xf32>,
      %parallel_loop3A_91 = arith.constant 2 : i32
      %parallel_loop3A_92 = arith.index_cast %parallel_loop3A_91 : i32 to index
      %parallel_loop3A_93 = arith.index_cast %parallel_loop3A_82 : i32 to index
      %parallel_loop3A_94 = tpu.vector_load %arg13[%parallel_loop3A_92, %parallel_loop3A_93] {strides = array<i32>} : memref<16x1025xf32, #tpu.memory_space<vmem>>, vector<16xf32>,
      tpu.vector_store %arg13[%parallel_loop3A_92, %parallel_loop3A_93], %broadcast_in_dim3A_33 {strides = array<i32>} : memref<16x1025xf32, #tpu.memory_space<vmem>>, vector<16xf32>,
      %parallel_loop3A_95 = arith.constant 3 : i32
      %parallel_loop3A_96 = arith.index_cast %parallel_loop3A_95 : i32 to index
      %parallel_loop3A_97 = arith.index_cast %parallel_loop3A_82 : i32 to index
      %parallel_loop3A_98 = tpu.vector_load %arg13[%parallel_loop3A_96, %parallel_loop3A_97] {strides = array<i32>} : memref<16x1025xf32, #tpu.memory_space<vmem>>, vector<16xf32>,
      tpu.vector_store %arg13[%parallel_loop3A_96, %parallel_loop3A_97], %broadcast_in_dim3A_33 {strides = array<i32>} : memref<16x1025xf32, #tpu.memory_space<vmem>>, vector<16xf32>,
      %parallel_loop3A_99 = arith.constant 4 : i32
      %parallel_loop3A_100 = arith.index_cast %parallel_loop3A_99 : i32 to index
      %parallel_loop3A_101 = arith.index_cast %parallel_loop3A_82 : i32 to index
      %parallel_loop3A_102 = tpu.vector_load %arg13[%parallel_loop3A_100, %parallel_loop3A_101] {strides = array<i32>} : memref<16x1025xf32, #tpu.memory_space<vmem>>, vector<16xf32>,
      tpu.vector_store %arg13[%parallel_loop3A_100, %parallel_loop3A_101], %broadcast_in_dim3A_33 {strides = array<i32>} : memref<16x1025xf32, #tpu.memory_space<vmem>>, vector<16xf32>,
      %parallel_loop3A_103 = arith.constant 5 : i32
      %parallel_loop3A_104 = arith.index_cast %parallel_loop3A_103 : i32 to index
      %parallel_loop3A_105 = arith.index_cast %parallel_loop3A_82 : i32 to index
      %parallel_loop3A_106 = tpu.vector_load %arg13[%parallel_loop3A_104, %parallel_loop3A_105] {strides = array<i32>} : memref<16x1025xf32, #tpu.memory_space<vmem>>, vector<16xf32>,
      tpu.vector_store %arg13[%parallel_loop3A_104, %parallel_loop3A_105], %broadcast_in_dim3A_33 {strides = array<i32>} : memref<16x1025xf32, #tpu.memory_space<vmem>>, vector<16xf32>,
      %parallel_loop3A_107 = arith.constant 6 : i32
      %parallel_loop3A_108 = arith.index_cast %parallel_loop3A_107 : i32 to index
      %parallel_loop3A_109 = arith.index_cast %parallel_loop3A_82 : i32 to index
      %parallel_loop3A_110 = tpu.vector_load %arg13[%parallel_loop3A_108, %parallel_loop3A_109] {strides = array<i32>} : memref<16x1025xf32, #tpu.memory_space<vmem>>, vector<16xf32>,
      tpu.vector_store %arg13[%parallel_loop3A_108, %parallel_loop3A_109], %broadcast_in_dim3A_33 {strides = array<i32>} : memref<16x1025xf32, #tpu.memory_space<vmem>>, vector<16xf32>,
      %parallel_loop3A_111 = arith.constant 7 : i32
      %parallel_loop3A_112 = arith.index_cast %parallel_loop3A_111 : i32 to index
      %parallel_loop3A_113 = arith.index_cast %parallel_loop3A_82 : i32 to index
      %parallel_loop3A_114 = tpu.vector_load %arg13[%parallel_loop3A_112, %parallel_loop3A_113] {strides = array<i32>} : memref<16x1025xf32, #tpu.memory_space<vmem>>, vector<16xf32>,
      tpu.vector_store %arg13[%parallel_loop3A_112, %parallel_loop3A_113], %broadcast_in_dim3A_33 {strides = array<i32>} : memref<16x1025xf32, #tpu.memory_space<vmem>>, vector<16xf32>,
      %parallel_loop3A_115 = arith.constant 8 : i32
      %parallel_loop3A_116 = arith.index_cast %parallel_loop3A_115 : i32 to index
      %parallel_loop3A_117 = arith.index_cast %parallel_loop3A_82 : i32 to index
      %parallel_loop3A_118 = tpu.vector_load %arg13[%parallel_loop3A_116, %parallel_loop3A_117] {strides = array<i32>} : memref<16x1025xf32, #tpu.memory_space<vmem>>, vector<16xf32>,
      tpu.vector_store %arg13[%parallel_loop3A_116, %parallel_loop3A_117], %broadcast_in_dim3A_33 {strides = array<i32>} : memref<16x1025xf32, #tpu.memory_space<vmem>>, vector<16xf32>,
      %parallel_loop3A_119 = arith.constant 9 : i32
      %parallel_loop3A_120 = arith.index_cast %parallel_loop3A_119 : i32 to index
      %parallel_loop3A_121 = arith.index_cast %parallel_loop3A_82 : i32 to index
      %parallel_loop3A_122 = tpu.vector_load %arg13[%parallel_loop3A_120, %parallel_loop3A_121] {strides = array<i32>} : memref<16x1025xf32, #tpu.memory_space<vmem>>, vector<16xf32>,
      tpu.vector_store %arg13[%parallel_loop3A_120, %parallel_loop3A_121], %broadcast_in_dim3A_33 {strides = array<i32>} : memref<16x1025xf32, #tpu.memory_space<vmem>>, vector<16xf32>,
      %parallel_loop3A_123 = arith.constant 10 : i32
      %parallel_loop3A_124 = arith.index_cast %parallel_loop3A_123 : i32 to index
      %parallel_loop3A_125 = arith.index_cast %parallel_loop3A_82 : i32 to index
      %parallel_loop3A_126 = tpu.vector_load %arg13[%parallel_loop3A_124, %parallel_loop3A_125] {strides = array<i32>} : memref<16x1025xf32, #tpu.memory_space<vmem>>, vector<16xf32>,
      tpu.vector_store %arg13[%parallel_loop3A_124, %parallel_loop3A_125], %broadcast_in_dim3A_33 {strides = array<i32>} : memref<16x1025xf32, #tpu.memory_space<vmem>>, vector<16xf32>,
      %parallel_loop3A_127 = arith.constant 11 : i32
      %parallel_loop3A_128 = arith.index_cast %parallel_loop3A_127 : i32 to index
      %parallel_loop3A_129 = arith.index_cast %parallel_loop3A_82 : i32 to index
      %parallel_loop3A_130 = tpu.vector_load %arg13[%parallel_loop3A_128, %parallel_loop3A_129] {strides = array<i32>} : memref<16x1025xf32, #tpu.memory_space<vmem>>, vector<16xf32>,
      tpu.vector_store %arg13[%parallel_loop3A_128, %parallel_loop3A_129], %broadcast_in_dim3A_33 {strides = array<i32>} : memref<16x1025xf32, #tpu.memory_space<vmem>>, vector<16xf32>,
      %parallel_loop3A_131 = arith.constant 12 : i32
      %parallel_loop3A_132 = arith.index_cast %parallel_loop3A_131 : i32 to index
      %parallel_loop3A_133 = arith.index_cast %parallel_loop3A_82 : i32 to index
      %parallel_loop3A_134 = tpu.vector_load %arg13[%parallel_loop3A_132, %parallel_loop3A_133] {strides = array<i32>} : memref<16x1025xf32, #tpu.memory_space<vmem>>, vector<16xf32>,
      tpu.vector_store %arg13[%parallel_loop3A_132, %parallel_loop3A_133], %broadcast_in_dim3A_33 {strides = array<i32>} : memref<16x1025xf32, #tpu.memory_space<vmem>>, vector<16xf32>,
      %parallel_loop3A_135 = arith.constant 13 : i32
      %parallel_loop3A_136 = arith.index_cast %parallel_loop3A_135 : i32 to index
      %parallel_loop3A_137 = arith.index_cast %parallel_loop3A_82 : i32 to index
      %parallel_loop3A_138 = tpu.vector_load %arg13[%parallel_loop3A_136, %parallel_loop3A_137] {strides = array<i32>} : memref<16x1025xf32, #tpu.memory_space<vmem>>, vector<16xf32>,
      tpu.vector_store %arg13[%parallel_loop3A_136, %parallel_loop3A_137], %broadcast_in_dim3A_33 {strides = array<i32>} : memref<16x1025xf32, #tpu.memory_space<vmem>>, vector<16xf32>,
      %parallel_loop3A_139 = arith.constant 14 : i32
      %parallel_loop3A_140 = arith.index_cast %parallel_loop3A_139 : i32 to index
      %parallel_loop3A_141 = arith.index_cast %parallel_loop3A_82 : i32 to index
      %parallel_loop3A_142 = tpu.vector_load %arg13[%parallel_loop3A_140, %parallel_loop3A_141] {strides = array<i32>} : memref<16x1025xf32, #tpu.memory_space<vmem>>, vector<16xf32>,
      tpu.vector_store %arg13[%parallel_loop3A_140, %parallel_loop3A_141], %broadcast_in_dim3A_33 {strides = array<i32>} : memref<16x1025xf32, #tpu.memory_space<vmem>>, vector<16xf32>,
      %parallel_loop3A_143 = arith.constant 15 : i32
      %parallel_loop3A_144 = arith.index_cast %parallel_loop3A_143 : i32 to index
      %parallel_loop3A_145 = arith.index_cast %parallel_loop3A_82 : i32 to index
      %parallel_loop3A_146 = tpu.vector_load %arg13[%parallel_loop3A_144, %parallel_loop3A_145] {strides = array<i32>} : memref<16x1025xf32, #tpu.memory_space<vmem>>, vector<16xf32>,
      tpu.vector_store %arg13[%parallel_loop3A_144, %parallel_loop3A_145], %broadcast_in_dim3A_33 {strides = array<i32>} : memref<16x1025xf32, #tpu.memory_space<vmem>>, vector<16xf32>,
    } {sc.loop_unroll_factor = 1 : i64, sc.parallel_access}
    %parallel_loop3A_38 = arith.constant 0 : i32
    %parallel_loop3A_39 = arith.constant 32 : i32
    %parallel_loop3A_40 = arith.constant 1 : i32
    scf.for %parallel_loop3A_82 = %parallel_loop3A_38 to %parallel_loop3A_39 step %parallel_loop3A_40  : i32 {
      %parallel_loop3A_83 = arith.index_cast %parallel_loop3A_82 : i32 to index
      %parallel_loop3A_84 = arith.constant 0 : index
      %parallel_loop3A_85 = tpu.vector_load %arg14[%parallel_loop3A_83, %parallel_loop3A_84] {strides = array<i32>} : memref<32x16xf32, #tpu.memory_space<vmem>>, vector<16xf32>,
      tpu.vector_store %arg14[%parallel_loop3A_83, %parallel_loop3A_84], %broadcast_in_dim3A_33 {strides = array<i32>} : memref<32x16xf32, #tpu.memory_space<vmem>>, vector<16xf32>,
    } {sc.loop_unroll_factor = 1 : i64, sc.parallel_access}
    %add3A_41 = arith.constant 0 : i32
    %add3A_42 = arith.addi %mul3A_32, %add3A_41 : i32
    %dma_start3A = arith.constant 0 : i32
    %dma_start3A_43 = arith.constant 0 : i32
    %dma_start3A_44 = tpu.memref_slice %arg2[%add3A, %dma_start3A, %add3A_42, %dma_start3A_43] : memref<16x5x512x512xf32, #tpu.memory_space<hbm>> -> memref<1x1x16x512xf32, #tpu.memory_space<hbm>>
    %dma_start3A_45 = tpu.memref_squeeze %dma_start3A_44 : memref<1x1x16x512xf32, #tpu.memory_space<hbm>> -> memref<16x512xf32, #tpu.memory_space<hbm>>
    %dma_start3A_46 = arith.constant 0 : i32
    %dma_start3A_47 = tpu.memref_slice %arg2[%add3A, %dma_start3A, %add3A_42, %dma_start3A_46] : memref<16x5x512x512xf32, #tpu.memory_space<hbm>> -> memref<1x1x16x512xf32, #tpu.memory_space<hbm>>
    %dma_start3A_48 = tpu.memref_squeeze %dma_start3A_47 : memref<1x1x16x512xf32, #tpu.memory_space<hbm>> -> memref<16x512xf32, #tpu.memory_space<hbm>>
    tpu.enqueue_dma source(%dma_start3A_48 : memref<16x512xf32, #tpu.memory_space<hbm>>) target(%arg5 : memref<16x512xf32, #tpu.memory_space<vmem>>) target_semaphore(%arg9 : memref<!tpu.dma_semaphore, #tpu.memory_space<semaphore_mem>>)
    %add3A_49 = arith.constant 0 : i32
    %add3A_50 = arith.addi %mul3A_32, %add3A_49 : i32
    %dma_start3A_51 = arith.constant 0 : i32
    %dma_start3A_52 = arith.constant 0 : i32
    %dma_start3A_53 = tpu.memref_slice %arg3[%add3A, %dma_start3A_51, %add3A_50, %dma_start3A_52] : memref<16x5x512x512xf32, #tpu.memory_space<hbm>> -> memref<1x1x16x512xf32, #tpu.memory_space<hbm>>
    %dma_start3A_54 = tpu.memref_squeeze %dma_start3A_53 : memref<1x1x16x512xf32, #tpu.memory_space<hbm>> -> memref<16x512xf32, #tpu.memory_space<hbm>>
    %dma_start3A_55 = arith.constant 0 : i32
    %dma_start3A_56 = tpu.memref_slice %arg3[%add3A, %dma_start3A_51, %add3A_50, %dma_start3A_55] : memref<16x5x512x512xf32, #tpu.memory_space<hbm>> -> memref<1x1x16x512xf32, #tpu.memory_space<hbm>>
    %dma_start3A_57 = tpu.memref_squeeze %dma_start3A_56 : memref<1x1x16x512xf32, #tpu.memory_space<hbm>> -> memref<16x512xf32, #tpu.memory_space<hbm>>
    tpu.enqueue_dma source(%dma_start3A_57 : memref<16x512xf32, #tpu.memory_space<hbm>>) target(%arg6 : memref<16x512xf32, #tpu.memory_space<vmem>>) target_semaphore(%arg10 : memref<!tpu.dma_semaphore, #tpu.memory_space<semaphore_mem>>)
    %scan3A = arith.constant 0 : i32
    %scan3A_58 = arith.constant 0 : i32
    %scan3A_59 = arith.constant 8 : i32
    %scan3A_60 = arith.addi %scan3A_58, %scan3A_59 : i32
    %scan3A_61 = arith.constant 1 : i32
    %scan3A_62 = scf.for %scan3A_82 = %scan3A_58 to %scan3A_60 step %scan3A_61 iter_args(%scan3A_83 = %scan3A) -> (i32)  : i32 {
      %mul3A_84 = arith.constant 2 : i32
      %mul3A_85 = arith.muli %scan3A_82, %mul3A_84 : i32
      %add3A_86 = arith.constant 1 : i32
      %add3A_87 = arith.addi %mul3A_85, %add3A_86 : i32
      %mul3A_88 = arith.constant 16 : i32
      %mul3A_89 = arith.muli %add3A_87, %mul3A_88 : i32
      %add3A_90 = arith.addi %mul3A_32, %mul3A_89 : i32
      %dma_start3A_91 = arith.constant 0 : i32
      %dma_start3A_92 = arith.constant 0 : i32
      %dma_start3A_93 = tpu.memref_slice %arg2[%add3A, %dma_start3A_91, %add3A_90, %dma_start3A_92] : memref<16x5x512x512xf32, #tpu.memory_space<hbm>> -> memref<1x1x16x512xf32, #tpu.memory_space<hbm>>
      %dma_start3A_94 = tpu.memref_squeeze %dma_start3A_93 : memref<1x1x16x512xf32, #tpu.memory_space<hbm>> -> memref<16x512xf32, #tpu.memory_space<hbm>>
      %dma_start3A_95 = arith.constant 0 : i32
      %dma_start3A_96 = tpu.memref_slice %arg2[%add3A, %dma_start3A_91, %add3A_90, %dma_start3A_95] : memref<16x5x512x512xf32, #tpu.memory_space<hbm>> -> memref<1x1x16x512xf32, #tpu.memory_space<hbm>>
      %dma_start3A_97 = tpu.memref_squeeze %dma_start3A_96 : memref<1x1x16x512xf32, #tpu.memory_space<hbm>> -> memref<16x512xf32, #tpu.memory_space<hbm>>
      tpu.enqueue_dma source(%dma_start3A_97 : memref<16x512xf32, #tpu.memory_space<hbm>>) target(%arg7 : memref<16x512xf32, #tpu.memory_space<vmem>>) target_semaphore(%arg11 : memref<!tpu.dma_semaphore, #tpu.memory_space<semaphore_mem>>)
      %add3A_98 = arith.constant 1 : i32
      %add3A_99 = arith.addi %mul3A_85, %add3A_98 : i32
      %mul3A_100 = arith.constant 16 : i32
      %mul3A_101 = arith.muli %add3A_99, %mul3A_100 : i32
      %add3A_102 = arith.addi %mul3A_32, %mul3A_101 : i32
      %dma_start3A_103 = arith.constant 0 : i32
      %dma_start3A_104 = arith.constant 0 : i32
      %dma_start3A_105 = tpu.memref_slice %arg3[%add3A, %dma_start3A_103, %add3A_102, %dma_start3A_104] : memref<16x5x512x512xf32, #tpu.memory_space<hbm>> -> memref<1x1x16x512xf32, #tpu.memory_space<hbm>>
      %dma_start3A_106 = tpu.memref_squeeze %dma_start3A_105 : memref<1x1x16x512xf32, #tpu.memory_space<hbm>> -> memref<16x512xf32, #tpu.memory_space<hbm>>
      %dma_start3A_107 = arith.constant 0 : i32
      %dma_start3A_108 = tpu.memref_slice %arg3[%add3A, %dma_start3A_103, %add3A_102, %dma_start3A_107] : memref<16x5x512x512xf32, #tpu.memory_space<hbm>> -> memref<1x1x16x512xf32, #tpu.memory_space<hbm>>
      %dma_start3A_109 = tpu.memref_squeeze %dma_start3A_108 : memref<1x1x16x512xf32, #tpu.memory_space<hbm>> -> memref<16x512xf32, #tpu.memory_space<hbm>>
      tpu.enqueue_dma source(%dma_start3A_109 : memref<16x512xf32, #tpu.memory_space<hbm>>) target(%arg8 : memref<16x512xf32, #tpu.memory_space<vmem>>) target_semaphore(%arg12 : memref<!tpu.dma_semaphore, #tpu.memory_space<semaphore_mem>>)
      %mul3A_110 = arith.constant 16 : i32
      %mul3A_111 = arith.muli %mul3A_85, %mul3A_110 : i32
      %add3A_112 = arith.addi %mul3A_32, %mul3A_111 : i32
      %dma_wait3A = arith.constant 0 : i32
      %dma_wait3A_113 = arith.constant 0 : i32
      %dma_wait3A_114 = tpu.memref_slice %arg2[%add3A, %dma_wait3A, %add3A_112, %dma_wait3A_113] : memref<16x5x512x512xf32, #tpu.memory_space<hbm>> -> memref<1x1x16x512xf32, #tpu.memory_space<hbm>>
      %dma_wait3A_115 = tpu.memref_squeeze %dma_wait3A_114 : memref<1x1x16x512xf32, #tpu.memory_space<hbm>> -> memref<16x512xf32, #tpu.memory_space<hbm>>
      %dma_wait3A_116 = arith.constant 0 : i32
      %dma_wait3A_117 = tpu.memref_slice %arg2[%add3A, %dma_wait3A, %add3A_112, %dma_wait3A_116] : memref<16x5x512x512xf32, #tpu.memory_space<hbm>> -> memref<1x1x16x512xf32, #tpu.memory_space<hbm>>
      %dma_wait3A_118 = tpu.memref_squeeze %dma_wait3A_117 : memref<1x1x16x512xf32, #tpu.memory_space<hbm>> -> memref<16x512xf32, #tpu.memory_space<hbm>>
      tpu.wait_dma2 semaphore(%arg9 : memref<!tpu.dma_semaphore, #tpu.memory_space<semaphore_mem>>) src(%dma_wait3A_118 : memref<16x512xf32, #tpu.memory_space<hbm>>) dst(%arg5 : memref<16x512xf32, #tpu.memory_space<vmem>>)
      %mul3A_119 = arith.constant 16 : i32
      %mul3A_120 = arith.muli %mul3A_85, %mul3A_119 : i32
      %add3A_121 = arith.addi %mul3A_32, %mul3A_120 : i32
      %dma_wait3A_122 = arith.constant 0 : i32
      %dma_wait3A_123 = arith.constant 0 : i32
      %dma_wait3A_124 = tpu.memref_slice %arg3[%add3A, %dma_wait3A_122, %add3A_121, %dma_wait3A_123] : memref<16x5x512x512xf32, #tpu.memory_space<hbm>> -> memref<1x1x16x512xf32, #tpu.memory_space<hbm>>
      %dma_wait3A_125 = tpu.memref_squeeze %dma_wait3A_124 : memref<1x1x16x512xf32, #tpu.memory_space<hbm>> -> memref<16x512xf32, #tpu.memory_space<hbm>>
      %dma_wait3A_126 = arith.constant 0 : i32
      %dma_wait3A_127 = tpu.memref_slice %arg3[%add3A, %dma_wait3A_122, %add3A_121, %dma_wait3A_126] : memref<16x5x512x512xf32, #tpu.memory_space<hbm>> -> memref<1x1x16x512xf32, #tpu.memory_space<hbm>>
      %dma_wait3A_128 = tpu.memref_squeeze %dma_wait3A_127 : memref<1x1x16x512xf32, #tpu.memory_space<hbm>> -> memref<16x512xf32, #tpu.memory_space<hbm>>
      tpu.wait_dma2 semaphore(%arg10 : memref<!tpu.dma_semaphore, #tpu.memory_space<semaphore_mem>>) src(%dma_wait3A_128 : memref<16x512xf32, #tpu.memory_space<hbm>>) dst(%arg6 : memref<16x512xf32, #tpu.memory_space<vmem>>)
      %scan3A_129 = arith.constant 0 : i32
      %scan3A_130 = arith.constant 0 : i32
      %scan3A_131 = arith.constant 16 : i32
      %scan3A_132 = arith.addi %scan3A_130, %scan3A_131 : i32
      %scan3A_133 = arith.constant 1 : i32
      %scan3A_134 = scf.for %scan3A_173 = %scan3A_130 to %scan3A_132 step %scan3A_133 iter_args(%scan3A_174 = %scan3A_129) -> (i32)  : i32 {
        %parallel_loop3A_175 = arith.constant 0 : i32
        %parallel_loop3A_176 = arith.constant 32 : i32
        %parallel_loop3A_177 = arith.constant 1 : i32
        scf.for %parallel_loop3A_179 = %parallel_loop3A_175 to %parallel_loop3A_176 step %parallel_loop3A_177  : i32 {
          %parallel_loop3A_180 = arith.constant 16 : i32
          %parallel_loop3A_181 = arith.muli %parallel_loop3A_179, %parallel_loop3A_180 : i32
          %parallel_loop3A_182 = arith.index_cast %scan3A_173 : i32 to index
          %parallel_loop3A_183 = arith.index_cast %parallel_loop3A_181 : i32 to index
          %parallel_loop3A_184 = tpu.vector_load %arg5[%parallel_loop3A_182, %parallel_loop3A_183] {strides = array<i32>} : memref<16x512xf32, #tpu.memory_space<vmem>>, vector<16xf32>,
          %parallel_loop3A_185 = arith.constant 16 : i32
          %parallel_loop3A_186 = arith.muli %parallel_loop3A_179, %parallel_loop3A_185 : i32
          %parallel_loop3A_187 = arith.index_cast %scan3A_173 : i32 to index
          %parallel_loop3A_188 = arith.index_cast %parallel_loop3A_186 : i32 to index
          %parallel_loop3A_189 = tpu.vector_load %arg6[%parallel_loop3A_187, %parallel_loop3A_188] {strides = array<i32>} : memref<16x512xf32, #tpu.memory_space<vmem>>, vector<16xf32>,
          %parallel_loop3A_190 = arith.constant 1.001000e+00 : f32
          %parallel_loop3A_191 = vector.broadcast %parallel_loop3A_190 : f32 to vector<16xf32>
          %parallel_loop3A_192 = arith.subf %parallel_loop3A_191, %parallel_loop3A_189 : vector<16xf32>
          %parallel_loop3A_193 = arith.mulf %parallel_loop3A_184, %parallel_loop3A_192 : vector<16xf32>
          %parallel_loop3A_194 = arith.constant -4.000000e+00 : f32
          %parallel_loop3A_195 = vector.broadcast %parallel_loop3A_194 : f32 to vector<16xf32>
          %parallel_loop3A_196 = arith.subf %parallel_loop3A_193, %parallel_loop3A_195 : vector<16xf32>
          %parallel_loop3A_197 = arith.constant 1.280000e+02 : f32
          %parallel_loop3A_198 = vector.broadcast %parallel_loop3A_197 : f32 to vector<16xf32>
          %parallel_loop3A_199 = arith.mulf %parallel_loop3A_196, %parallel_loop3A_198 : vector<16xf32>
          %parallel_loop3A_200 = arith.constant 0.000000e+00 : f32
          %parallel_loop3A_201 = vector.broadcast %parallel_loop3A_200 : f32 to vector<16xf32>
          %parallel_loop3A_202 = arith.maximumf %parallel_loop3A_199, %parallel_loop3A_201 : vector<16xf32>
          %parallel_loop3A_203 = arith.constant 1.023000e+03 : f32
          %parallel_loop3A_204 = vector.broadcast %parallel_loop3A_203 : f32 to vector<16xf32>
          %parallel_loop3A_205 = arith.minimumf %parallel_loop3A_202, %parallel_loop3A_204 : vector<16xf32>
          %parallel_loop3A_206 = arith.fptosi %parallel_loop3A_205 : vector<16xf32> to vector<16xi32>
          tpu.vector_store_idx %arg13[%iota3A, %parallel_loop3A_206], %broadcast_in_dim3A_35 {add = true} : memref<16x1025xf32, #tpu.memory_space<vmem>>[vector<16xi32>, vector<16xi32>], vector<16xf32>,
          %parallel_loop3A_207 = arith.index_cast %parallel_loop3A_179 : i32 to index
          %parallel_loop3A_208 = arith.constant 0 : index
          %parallel_loop3A_209 = tpu.vector_load %arg14[%parallel_loop3A_207, %parallel_loop3A_208] {strides = array<i32>} : memref<32x16xf32, #tpu.memory_space<vmem>>, vector<16xf32>,
          tpu.vector_store %arg14[%parallel_loop3A_207, %parallel_loop3A_208], %parallel_loop3A_189 {add = true, strides = array<i32>} : memref<32x16xf32, #tpu.memory_space<vmem>>, vector<16xf32>,
        } {sc.loop_unroll_factor = 8 : i64, sc.parallel_access}
        %scan3A_178 = arith.constant 0 : i32
        scf.yield %scan3A_178 : i32
      }
      %scan3A_135 = arith.constant 16 : i32
      %lt3A_136 = arith.constant 7 : i32
      %lt3A_137 = arith.cmpi slt, %scan3A_82, %lt3A_136 : i32
      %convert_element_type3A_138 = arith.extui %lt3A_137 : i1 to i32
      %cond3A_139 = arith.constant 0 : i32
      %cond3A_140 = arith.cmpi ne, %convert_element_type3A_138, %cond3A_139 : i32
      scf.if %cond3A_140 {
        %add3A_173 = arith.constant 2 : i32
        %add3A_174 = arith.addi %mul3A_85, %add3A_173 : i32
        %mul3A_175 = arith.constant 16 : i32
        %mul3A_176 = arith.muli %add3A_174, %mul3A_175 : i32
        %add3A_177 = arith.addi %mul3A_32, %mul3A_176 : i32
        %dma_start3A_178 = arith.constant 0 : i32
        %dma_start3A_179 = arith.constant 0 : i32
        %dma_start3A_180 = tpu.memref_slice %arg2[%add3A, %dma_start3A_178, %add3A_177, %dma_start3A_179] : memref<16x5x512x512xf32, #tpu.memory_space<hbm>> -> memref<1x1x16x512xf32, #tpu.memory_space<hbm>>
        %dma_start3A_181 = tpu.memref_squeeze %dma_start3A_180 : memref<1x1x16x512xf32, #tpu.memory_space<hbm>> -> memref<16x512xf32, #tpu.memory_space<hbm>>
        %dma_start3A_182 = arith.constant 0 : i32
        %dma_start3A_183 = tpu.memref_slice %arg2[%add3A, %dma_start3A_178, %add3A_177, %dma_start3A_182] : memref<16x5x512x512xf32, #tpu.memory_space<hbm>> -> memref<1x1x16x512xf32, #tpu.memory_space<hbm>>
        %dma_start3A_184 = tpu.memref_squeeze %dma_start3A_183 : memref<1x1x16x512xf32, #tpu.memory_space<hbm>> -> memref<16x512xf32, #tpu.memory_space<hbm>>
        tpu.enqueue_dma source(%dma_start3A_184 : memref<16x512xf32, #tpu.memory_space<hbm>>) target(%arg5 : memref<16x512xf32, #tpu.memory_space<vmem>>) target_semaphore(%arg9 : memref<!tpu.dma_semaphore, #tpu.memory_space<semaphore_mem>>)
        %add3A_185 = arith.constant 2 : i32
        %add3A_186 = arith.addi %mul3A_85, %add3A_185 : i32
        %mul3A_187 = arith.constant 16 : i32
        %mul3A_188 = arith.muli %add3A_186, %mul3A_187 : i32
        %add3A_189 = arith.addi %mul3A_32, %mul3A_188 : i32
        %dma_start3A_190 = arith.constant 0 : i32
        %dma_start3A_191 = arith.constant 0 : i32
        %dma_start3A_192 = tpu.memref_slice %arg3[%add3A, %dma_start3A_190, %add3A_189, %dma_start3A_191] : memref<16x5x512x512xf32, #tpu.memory_space<hbm>> -> memref<1x1x16x512xf32, #tpu.memory_space<hbm>>
        %dma_start3A_193 = tpu.memref_squeeze %dma_start3A_192 : memref<1x1x16x512xf32, #tpu.memory_space<hbm>> -> memref<16x512xf32, #tpu.memory_space<hbm>>
        %dma_start3A_194 = arith.constant 0 : i32
        %dma_start3A_195 = tpu.memref_slice %arg3[%add3A, %dma_start3A_190, %add3A_189, %dma_start3A_194] : memref<16x5x512x512xf32, #tpu.memory_space<hbm>> -> memref<1x1x16x512xf32, #tpu.memory_space<hbm>>
        %dma_start3A_196 = tpu.memref_squeeze %dma_start3A_195 : memref<1x1x16x512xf32, #tpu.memory_space<hbm>> -> memref<16x512xf32, #tpu.memory_space<hbm>>
        tpu.enqueue_dma source(%dma_start3A_196 : memref<16x512xf32, #tpu.memory_space<hbm>>) target(%arg6 : memref<16x512xf32, #tpu.memory_space<vmem>>) target_semaphore(%arg10 : memref<!tpu.dma_semaphore, #tpu.memory_space<semaphore_mem>>)
      } else {
      }
      %add3A_141 = arith.constant 1 : i32
      %add3A_142 = arith.addi %mul3A_85, %add3A_141 : i32
      %mul3A_143 = arith.constant 16 : i32
      %mul3A_144 = arith.muli %add3A_142, %mul3A_143 : i32
      %add3A_145 = arith.addi %mul3A_32, %mul3A_144 : i32
      %dma_wait3A_146 = arith.constant 0 : i32
      %dma_wait3A_147 = arith.constant 0 : i32
      %dma_wait3A_148 = tpu.memref_slice %arg2[%add3A, %dma_wait3A_146, %add3A_145, %dma_wait3A_147] : memref<16x5x512x512xf32, #tpu.memory_space<hbm>> -> memref<1x1x16x512xf32, #tpu.memory_space<hbm>>
      %dma_wait3A_149 = tpu.memref_squeeze %dma_wait3A_148 : memref<1x1x16x512xf32, #tpu.memory_space<hbm>> -> memref<16x512xf32, #tpu.memory_space<hbm>>
      %dma_wait3A_150 = arith.constant 0 : i32
      %dma_wait3A_151 = tpu.memref_slice %arg2[%add3A, %dma_wait3A_146, %add3A_145, %dma_wait3A_150] : memref<16x5x512x512xf32, #tpu.memory_space<hbm>> -> memref<1x1x16x512xf32, #tpu.memory_space<hbm>>
      %dma_wait3A_152 = tpu.memref_squeeze %dma_wait3A_151 : memref<1x1x16x512xf32, #tpu.memory_space<hbm>> -> memref<16x512xf32, #tpu.memory_space<hbm>>
      tpu.wait_dma2 semaphore(%arg11 : memref<!tpu.dma_semaphore, #tpu.memory_space<semaphore_mem>>) src(%dma_wait3A_152 : memref<16x512xf32, #tpu.memory_space<hbm>>) dst(%arg7 : memref<16x512xf32, #tpu.memory_space<vmem>>)
      %add3A_153 = arith.constant 1 : i32
      %add3A_154 = arith.addi %mul3A_85, %add3A_153 : i32
      %mul3A_155 = arith.constant 16 : i32
      %mul3A_156 = arith.muli %add3A_154, %mul3A_155 : i32
      %add3A_157 = arith.addi %mul3A_32, %mul3A_156 : i32
      %dma_wait3A_158 = arith.constant 0 : i32
      %dma_wait3A_159 = arith.constant 0 : i32
      %dma_wait3A_160 = tpu.memref_slice %arg3[%add3A, %dma_wait3A_158, %add3A_157, %dma_wait3A_159] : memref<16x5x512x512xf32, #tpu.memory_space<hbm>> -> memref<1x1x16x512xf32, #tpu.memory_space<hbm>>
      %dma_wait3A_161 = tpu.memref_squeeze %dma_wait3A_160 : memref<1x1x16x512xf32, #tpu.memory_space<hbm>> -> memref<16x512xf32, #tpu.memory_space<hbm>>
      %dma_wait3A_162 = arith.constant 0 : i32
      %dma_wait3A_163 = tpu.memref_slice %arg3[%add3A, %dma_wait3A_158, %add3A_157, %dma_wait3A_162] : memref<16x5x512x512xf32, #tpu.memory_space<hbm>> -> memref<1x1x16x512xf32, #tpu.memory_space<hbm>>
      %dma_wait3A_164 = tpu.memref_squeeze %dma_wait3A_163 : memref<1x1x16x512xf32, #tpu.memory_space<hbm>> -> memref<16x512xf32, #tpu.memory_space<hbm>>
      tpu.wait_dma2 semaphore(%arg12 : memref<!tpu.dma_semaphore, #tpu.memory_space<semaphore_mem>>) src(%dma_wait3A_164 : memref<16x512xf32, #tpu.memory_space<hbm>>) dst(%arg8 : memref<16x512xf32, #tpu.memory_space<vmem>>)
      %scan3A_165 = arith.constant 0 : i32
      %scan3A_166 = arith.constant 0 : i32
      %scan3A_167 = arith.constant 16 : i32
      %scan3A_168 = arith.addi %scan3A_166, %scan3A_167 : i32
      %scan3A_169 = arith.constant 1 : i32
      %scan3A_170 = scf.for %scan3A_173 = %scan3A_166 to %scan3A_168 step %scan3A_169 iter_args(%scan3A_174 = %scan3A_165) -> (i32)  : i32 {
        %parallel_loop3A_175 = arith.constant 0 : i32
        %parallel_loop3A_176 = arith.constant 32 : i32
        %parallel_loop3A_177 = arith.constant 1 : i32
        scf.for %parallel_loop3A_179 = %parallel_loop3A_175 to %parallel_loop3A_176 step %parallel_loop3A_177  : i32 {
          %parallel_loop3A_180 = arith.constant 16 : i32
          %parallel_loop3A_181 = arith.muli %parallel_loop3A_179, %parallel_loop3A_180 : i32
          %parallel_loop3A_182 = arith.index_cast %scan3A_173 : i32 to index
          %parallel_loop3A_183 = arith.index_cast %parallel_loop3A_181 : i32 to index
          %parallel_loop3A_184 = tpu.vector_load %arg7[%parallel_loop3A_182, %parallel_loop3A_183] {strides = array<i32>} : memref<16x512xf32, #tpu.memory_space<vmem>>, vector<16xf32>,
          %parallel_loop3A_185 = arith.constant 16 : i32
          %parallel_loop3A_186 = arith.muli %parallel_loop3A_179, %parallel_loop3A_185 : i32
          %parallel_loop3A_187 = arith.index_cast %scan3A_173 : i32 to index
          %parallel_loop3A_188 = arith.index_cast %parallel_loop3A_186 : i32 to index
          %parallel_loop3A_189 = tpu.vector_load %arg8[%parallel_loop3A_187, %parallel_loop3A_188] {strides = array<i32>} : memref<16x512xf32, #tpu.memory_space<vmem>>, vector<16xf32>,
          %parallel_loop3A_190 = arith.constant 1.001000e+00 : f32
          %parallel_loop3A_191 = vector.broadcast %parallel_loop3A_190 : f32 to vector<16xf32>
          %parallel_loop3A_192 = arith.subf %parallel_loop3A_191, %parallel_loop3A_189 : vector<16xf32>
          %parallel_loop3A_193 = arith.mulf %parallel_loop3A_184, %parallel_loop3A_192 : vector<16xf32>
          %parallel_loop3A_194 = arith.constant -4.000000e+00 : f32
          %parallel_loop3A_195 = vector.broadcast %parallel_loop3A_194 : f32 to vector<16xf32>
          %parallel_loop3A_196 = arith.subf %parallel_loop3A_193, %parallel_loop3A_195 : vector<16xf32>
          %parallel_loop3A_197 = arith.constant 1.280000e+02 : f32
          %parallel_loop3A_198 = vector.broadcast %parallel_loop3A_197 : f32 to vector<16xf32>
          %parallel_loop3A_199 = arith.mulf %parallel_loop3A_196, %parallel_loop3A_198 : vector<16xf32>
          %parallel_loop3A_200 = arith.constant 0.000000e+00 : f32
          %parallel_loop3A_201 = vector.broadcast %parallel_loop3A_200 : f32 to vector<16xf32>
          %parallel_loop3A_202 = arith.maximumf %parallel_loop3A_199, %parallel_loop3A_201 : vector<16xf32>
          %parallel_loop3A_203 = arith.constant 1.023000e+03 : f32
          %parallel_loop3A_204 = vector.broadcast %parallel_loop3A_203 : f32 to vector<16xf32>
          %parallel_loop3A_205 = arith.minimumf %parallel_loop3A_202, %parallel_loop3A_204 : vector<16xf32>
          %parallel_loop3A_206 = arith.fptosi %parallel_loop3A_205 : vector<16xf32> to vector<16xi32>
          tpu.vector_store_idx %arg13[%iota3A, %parallel_loop3A_206], %broadcast_in_dim3A_35 {add = true} : memref<16x1025xf32, #tpu.memory_space<vmem>>[vector<16xi32>, vector<16xi32>], vector<16xf32>,
          %parallel_loop3A_207 = arith.index_cast %parallel_loop3A_179 : i32 to index
          %parallel_loop3A_208 = arith.constant 0 : index
          %parallel_loop3A_209 = tpu.vector_load %arg14[%parallel_loop3A_207, %parallel_loop3A_208] {strides = array<i32>} : memref<32x16xf32, #tpu.memory_space<vmem>>, vector<16xf32>,
          tpu.vector_store %arg14[%parallel_loop3A_207, %parallel_loop3A_208], %parallel_loop3A_189 {add = true, strides = array<i32>} : memref<32x16xf32, #tpu.memory_space<vmem>>, vector<16xf32>,
        } {sc.loop_unroll_factor = 8 : i64, sc.parallel_access}
        %scan3A_178 = arith.constant 0 : i32
        scf.yield %scan3A_178 : i32
      }
      %scan3A_171 = arith.constant 16 : i32
      %scan3A_172 = arith.constant 0 : i32
      scf.yield %scan3A_172 : i32
    }
    %scan3A_63 = arith.constant 8 : i32
    %scan3A_64 = arith.constant 0 : i32
    %scan3A_65 = arith.constant 32 : i32
    %scan3A_66 = arith.addi %scan3A_64, %scan3A_65 : i32
    %scan3A_67 = arith.constant 1 : i32
    %scan3A_68 = scf.for %scan3A_82 = %scan3A_64 to %scan3A_66 step %scan3A_67 iter_args(%scan3A_83 = %broadcast_in_dim3A_33) -> (vector<16xf32>)  : i32 {
      %get3A = arith.index_cast %scan3A_82 : i32 to index
      %get3A_84 = arith.constant 0 : index
      %get3A_85 = tpu.vector_load %arg14[%get3A, %get3A_84] {strides = array<i32>} : memref<32x16xf32, #tpu.memory_space<vmem>>, vector<16xf32>,
      %add3A_86 = arith.addf %scan3A_83, %get3A_85 : vector<16xf32>
      scf.yield %add3A_86 : vector<16xf32>
    }
    %scan3A_69 = arith.constant 32 : i32
    %swap3A = arith.constant 1024 : index
    %swap3A_70 = tpu.vector_load %arg15[%swap3A] {strides = array<i32>} : memref<1040xf32, #tpu.memory_space<vmem>>, vector<16xf32>,
    tpu.vector_store %arg15[%swap3A], %scan3A_68 {strides = array<i32>} : memref<1040xf32, #tpu.memory_space<vmem>>, vector<16xf32>,
    %parallel_loop3A_71 = arith.constant 0 : i32
    %parallel_loop3A_72 = arith.constant 1024 : i32
    %parallel_loop3A_73 = arith.constant 16 : i32
    scf.for %parallel_loop3A_82 = %parallel_loop3A_71 to %parallel_loop3A_72 step %parallel_loop3A_73  : i32 {
      %parallel_loop3A_83 = arith.constant 0 : i32
      %parallel_loop3A_84 = arith.index_cast %parallel_loop3A_83 : i32 to index
      %parallel_loop3A_85 = arith.index_cast %parallel_loop3A_82 : i32 to index
      %parallel_loop3A_86 = tpu.vector_load %arg13[%parallel_loop3A_84, %parallel_loop3A_85] {strides = array<i32>} : memref<16x1025xf32, #tpu.memory_space<vmem>>, vector<16xf32>,
      %parallel_loop3A_87 = arith.constant 1 : i32
      %parallel_loop3A_88 = arith.index_cast %parallel_loop3A_87 : i32 to index
      %parallel_loop3A_89 = arith.index_cast %parallel_loop3A_82 : i32 to index
      %parallel_loop3A_90 = tpu.vector_load %arg13[%parallel_loop3A_88, %parallel_loop3A_89] {strides = array<i32>} : memref<16x1025xf32, #tpu.memory_space<vmem>>, vector<16xf32>,
      %parallel_loop3A_91 = arith.addf %parallel_loop3A_86, %parallel_loop3A_90 : vector<16xf32>
      %parallel_loop3A_92 = arith.constant 2 : i32
      %parallel_loop3A_93 = arith.index_cast %parallel_loop3A_92 : i32 to index
      %parallel_loop3A_94 = arith.index_cast %parallel_loop3A_82 : i32 to index
      %parallel_loop3A_95 = tpu.vector_load %arg13[%parallel_loop3A_93, %parallel_loop3A_94] {strides = array<i32>} : memref<16x1025xf32, #tpu.memory_space<vmem>>, vector<16xf32>,
      %parallel_loop3A_96 = arith.addf %parallel_loop3A_91, %parallel_loop3A_95 : vector<16xf32>
      %parallel_loop3A_97 = arith.constant 3 : i32
      %parallel_loop3A_98 = arith.index_cast %parallel_loop3A_97 : i32 to index
      %parallel_loop3A_99 = arith.index_cast %parallel_loop3A_82 : i32 to index
      %parallel_loop3A_100 = tpu.vector_load %arg13[%parallel_loop3A_98, %parallel_loop3A_99] {strides = array<i32>} : memref<16x1025xf32, #tpu.memory_space<vmem>>, vector<16xf32>,
      %parallel_loop3A_101 = arith.addf %parallel_loop3A_96, %parallel_loop3A_100 : vector<16xf32>
      %parallel_loop3A_102 = arith.constant 4 : i32
      %parallel_loop3A_103 = arith.index_cast %parallel_loop3A_102 : i32 to index
      %parallel_loop3A_104 = arith.index_cast %parallel_loop3A_82 : i32 to index
      %parallel_loop3A_105 = tpu.vector_load %arg13[%parallel_loop3A_103, %parallel_loop3A_104] {strides = array<i32>} : memref<16x1025xf32, #tpu.memory_space<vmem>>, vector<16xf32>,
      %parallel_loop3A_106 = arith.addf %parallel_loop3A_101, %parallel_loop3A_105 : vector<16xf32>
      %parallel_loop3A_107 = arith.constant 5 : i32
      %parallel_loop3A_108 = arith.index_cast %parallel_loop3A_107 : i32 to index
      %parallel_loop3A_109 = arith.index_cast %parallel_loop3A_82 : i32 to index
      %parallel_loop3A_110 = tpu.vector_load %arg13[%parallel_loop3A_108, %parallel_loop3A_109] {strides = array<i32>} : memref<16x1025xf32, #tpu.memory_space<vmem>>, vector<16xf32>,
      %parallel_loop3A_111 = arith.addf %parallel_loop3A_106, %parallel_loop3A_110 : vector<16xf32>
      %parallel_loop3A_112 = arith.constant 6 : i32
      %parallel_loop3A_113 = arith.index_cast %parallel_loop3A_112 : i32 to index
      %parallel_loop3A_114 = arith.index_cast %parallel_loop3A_82 : i32 to index
      %parallel_loop3A_115 = tpu.vector_load %arg13[%parallel_loop3A_113, %parallel_loop3A_114] {strides = array<i32>} : memref<16x1025xf32, #tpu.memory_space<vmem>>, vector<16xf32>,
      %parallel_loop3A_116 = arith.addf %parallel_loop3A_111, %parallel_loop3A_115 : vector<16xf32>
      %parallel_loop3A_117 = arith.constant 7 : i32
      %parallel_loop3A_118 = arith.index_cast %parallel_loop3A_117 : i32 to index
      %parallel_loop3A_119 = arith.index_cast %parallel_loop3A_82 : i32 to index
      %parallel_loop3A_120 = tpu.vector_load %arg13[%parallel_loop3A_118, %parallel_loop3A_119] {strides = array<i32>} : memref<16x1025xf32, #tpu.memory_space<vmem>>, vector<16xf32>,
      %parallel_loop3A_121 = arith.addf %parallel_loop3A_116, %parallel_loop3A_120 : vector<16xf32>
      %parallel_loop3A_122 = arith.constant 8 : i32
      %parallel_loop3A_123 = arith.index_cast %parallel_loop3A_122 : i32 to index
      %parallel_loop3A_124 = arith.index_cast %parallel_loop3A_82 : i32 to index
      %parallel_loop3A_125 = tpu.vector_load %arg13[%parallel_loop3A_123, %parallel_loop3A_124] {strides = array<i32>} : memref<16x1025xf32, #tpu.memory_space<vmem>>, vector<16xf32>,
      %parallel_loop3A_126 = arith.addf %parallel_loop3A_121, %parallel_loop3A_125 : vector<16xf32>
      %parallel_loop3A_127 = arith.constant 9 : i32
      %parallel_loop3A_128 = arith.index_cast %parallel_loop3A_127 : i32 to index
      %parallel_loop3A_129 = arith.index_cast %parallel_loop3A_82 : i32 to index
      %parallel_loop3A_130 = tpu.vector_load %arg13[%parallel_loop3A_128, %parallel_loop3A_129] {strides = array<i32>} : memref<16x1025xf32, #tpu.memory_space<vmem>>, vector<16xf32>,
      %parallel_loop3A_131 = arith.addf %parallel_loop3A_126, %parallel_loop3A_130 : vector<16xf32>
      %parallel_loop3A_132 = arith.constant 10 : i32
      %parallel_loop3A_133 = arith.index_cast %parallel_loop3A_132 : i32 to index
      %parallel_loop3A_134 = arith.index_cast %parallel_loop3A_82 : i32 to index
      %parallel_loop3A_135 = tpu.vector_load %arg13[%parallel_loop3A_133, %parallel_loop3A_134] {strides = array<i32>} : memref<16x1025xf32, #tpu.memory_space<vmem>>, vector<16xf32>,
      %parallel_loop3A_136 = arith.addf %parallel_loop3A_131, %parallel_loop3A_135 : vector<16xf32>
      %parallel_loop3A_137 = arith.constant 11 : i32
      %parallel_loop3A_138 = arith.index_cast %parallel_loop3A_137 : i32 to index
      %parallel_loop3A_139 = arith.index_cast %parallel_loop3A_82 : i32 to index
      %parallel_loop3A_140 = tpu.vector_load %arg13[%parallel_loop3A_138, %parallel_loop3A_139] {strides = array<i32>} : memref<16x1025xf32, #tpu.memory_space<vmem>>, vector<16xf32>,
      %parallel_loop3A_141 = arith.addf %parallel_loop3A_136, %parallel_loop3A_140 : vector<16xf32>
      %parallel_loop3A_142 = arith.constant 12 : i32
      %parallel_loop3A_143 = arith.index_cast %parallel_loop3A_142 : i32 to index
      %parallel_loop3A_144 = arith.index_cast %parallel_loop3A_82 : i32 to index
      %parallel_loop3A_145 = tpu.vector_load %arg13[%parallel_loop3A_143, %parallel_loop3A_144] {strides = array<i32>} : memref<16x1025xf32, #tpu.memory_space<vmem>>, vector<16xf32>,
      %parallel_loop3A_146 = arith.addf %parallel_loop3A_141, %parallel_loop3A_145 : vector<16xf32>
      %parallel_loop3A_147 = arith.constant 13 : i32
      %parallel_loop3A_148 = arith.index_cast %parallel_loop3A_147 : i32 to index
      %parallel_loop3A_149 = arith.index_cast %parallel_loop3A_82 : i32 to index
      %parallel_loop3A_150 = tpu.vector_load %arg13[%parallel_loop3A_148, %parallel_loop3A_149] {strides = array<i32>} : memref<16x1025xf32, #tpu.memory_space<vmem>>, vector<16xf32>,
      %parallel_loop3A_151 = arith.addf %parallel_loop3A_146, %parallel_loop3A_150 : vector<16xf32>
      %parallel_loop3A_152 = arith.constant 14 : i32
      %parallel_loop3A_153 = arith.index_cast %parallel_loop3A_152 : i32 to index
      %parallel_loop3A_154 = arith.index_cast %parallel_loop3A_82 : i32 to index
      %parallel_loop3A_155 = tpu.vector_load %arg13[%parallel_loop3A_153, %parallel_loop3A_154] {strides = array<i32>} : memref<16x1025xf32, #tpu.memory_space<vmem>>, vector<16xf32>,
      %parallel_loop3A_156 = arith.addf %parallel_loop3A_151, %parallel_loop3A_155 : vector<16xf32>
      %parallel_loop3A_157 = arith.constant 15 : i32
      %parallel_loop3A_158 = arith.index_cast %parallel_loop3A_157 : i32 to index
      %parallel_loop3A_159 = arith.index_cast %parallel_loop3A_82 : i32 to index
      %parallel_loop3A_160 = tpu.vector_load %arg13[%parallel_loop3A_158, %parallel_loop3A_159] {strides = array<i32>} : memref<16x1025xf32, #tpu.memory_space<vmem>>, vector<16xf32>,
      %parallel_loop3A_161 = arith.addf %parallel_loop3A_156, %parallel_loop3A_160 : vector<16xf32>
      %parallel_loop3A_162 = arith.index_cast %parallel_loop3A_82 : i32 to index
      %parallel_loop3A_163 = tpu.vector_load %arg15[%parallel_loop3A_162] {strides = array<i32>} : memref<1040xf32, #tpu.memory_space<vmem>>, vector<16xf32>,
      tpu.vector_store %arg15[%parallel_loop3A_162], %parallel_loop3A_161 {strides = array<i32>} : memref<1040xf32, #tpu.memory_space<vmem>>, vector<16xf32>,
    } {sc.loop_unroll_factor = 2 : i64, sc.parallel_access}
    %eq3A_74 = arith.constant 1 : i32
    %eq3A_75 = arith.cmpi eq, %select_n3A_30, %eq3A_74 : i32
    %convert_element_type3A = arith.extui %eq3A_75 : i1 to i32
    %cond3A = arith.constant 0 : i32
    %cond3A_76 = arith.cmpi ne, %convert_element_type3A, %cond3A : i32
    scf.if %cond3A_76 {
      "tpu.region"() ({
        %run_scoped3A = tpu.sem_alloc : memref<!tpu.dma_semaphore, #tpu.memory_space<semaphore_mem>>
        %dma_start3A_82 = arith.constant 0 : i32
        %dma_start3A_83 = tpu.memref_slice %arg18[%arg1, %dma_start3A_82] : memref<16x1040xf32, #tpu.memory_space<vmem_shared>> -> memref<1x1040xf32, #tpu.memory_space<vmem_shared>>
        %dma_start3A_84 = tpu.memref_squeeze %dma_start3A_83 : memref<1x1040xf32, #tpu.memory_space<vmem_shared>> -> memref<1040xf32, #tpu.memory_space<vmem_shared>>
        %dma_start3A_85 = arith.constant 0 : i32
        %dma_start3A_86 = tpu.memref_slice %arg18[%arg1, %dma_start3A_85] : memref<16x1040xf32, #tpu.memory_space<vmem_shared>> -> memref<1x1040xf32, #tpu.memory_space<vmem_shared>>
        %dma_start3A_87 = tpu.memref_squeeze %dma_start3A_86 : memref<1x1040xf32, #tpu.memory_space<vmem_shared>> -> memref<1040xf32, #tpu.memory_space<vmem_shared>>
        tpu.enqueue_dma source(%arg15 : memref<1040xf32, #tpu.memory_space<vmem>>) target(%dma_start3A_87 : memref<1040xf32, #tpu.memory_space<vmem_shared>>) target_semaphore(%run_scoped3A : memref<!tpu.dma_semaphore, #tpu.memory_space<semaphore_mem>>)
        %dma_wait3A = arith.constant 0 : i32
        %dma_wait3A_88 = tpu.memref_slice %arg18[%arg1, %dma_wait3A] : memref<16x1040xf32, #tpu.memory_space<vmem_shared>> -> memref<1x1040xf32, #tpu.memory_space<vmem_shared>>
        %dma_wait3A_89 = tpu.memref_squeeze %dma_wait3A_88 : memref<1x1040xf32, #tpu.memory_space<vmem_shared>> -> memref<1040xf32, #tpu.memory_space<vmem_shared>>
        %dma_wait3A_90 = arith.constant 0 : i32
        %dma_wait3A_91 = tpu.memref_slice %arg18[%arg1, %dma_wait3A_90] : memref<16x1040xf32, #tpu.memory_space<vmem_shared>> -> memref<1x1040xf32, #tpu.memory_space<vmem_shared>>
        %dma_wait3A_92 = tpu.memref_squeeze %dma_wait3A_91 : memref<1x1040xf32, #tpu.memory_space<vmem_shared>> -> memref<1040xf32, #tpu.memory_space<vmem_shared>>
        tpu.wait_dma2 semaphore(%run_scoped3A : memref<!tpu.dma_semaphore, #tpu.memory_space<semaphore_mem>>) src(%arg15 : memref<1040xf32, #tpu.memory_space<vmem>>) dst(%dma_wait3A_92 : memref<1040xf32, #tpu.memory_space<vmem_shared>>)
        tpu.yield
      }) : () -> ()
    } else {
    }
    %barrier3A = arith.constant 0 : index
    tpu.barrier barrier_id(%barrier3A)
    %eq3A_77 = arith.constant 0 : i32
    %eq3A_78 = arith.cmpi eq, %select_n3A_30, %eq3A_77 : i32
    %convert_element_type3A_79 = arith.extui %eq3A_78 : i1 to i32
    %cond3A_80 = arith.constant 0 : i32
    %cond3A_81 = arith.cmpi ne, %convert_element_type3A_79, %cond3A_80 : i32
    scf.if %cond3A_81 {
      %add3A_82 = arith.constant 1 : i32
      %add3A_83 = arith.addi %arg1, %add3A_82 : i32
      "tpu.region"() ({
        %run_scoped3A = tpu.sem_alloc : memref<!tpu.dma_semaphore, #tpu.memory_space<semaphore_mem>>
        %dma_start3A_110 = arith.constant 0 : i32
        %dma_start3A_111 = tpu.memref_slice %arg18[%add3A_83, %dma_start3A_110] : memref<16x1040xf32, #tpu.memory_space<vmem_shared>> -> memref<1x1040xf32, #tpu.memory_space<vmem_shared>>
        %dma_start3A_112 = tpu.memref_squeeze %dma_start3A_111 : memref<1x1040xf32, #tpu.memory_space<vmem_shared>> -> memref<1040xf32, #tpu.memory_space<vmem_shared>>
        %dma_start3A_113 = arith.constant 0 : i32
        %dma_start3A_114 = tpu.memref_slice %arg18[%add3A_83, %dma_start3A_113] : memref<16x1040xf32, #tpu.memory_space<vmem_shared>> -> memref<1x1040xf32, #tpu.memory_space<vmem_shared>>
        %dma_start3A_115 = tpu.memref_squeeze %dma_start3A_114 : memref<1x1040xf32, #tpu.memory_space<vmem_shared>> -> memref<1040xf32, #tpu.memory_space<vmem_shared>>
        tpu.enqueue_dma source(%dma_start3A_115 : memref<1040xf32, #tpu.memory_space<vmem_shared>>) target(%arg16 : memref<1040xf32, #tpu.memory_space<vmem>>) target_semaphore(%run_scoped3A : memref<!tpu.dma_semaphore, #tpu.memory_space<semaphore_mem>>)
        %dma_wait3A = arith.constant 0 : i32
        %dma_wait3A_116 = tpu.memref_slice %arg18[%add3A_83, %dma_wait3A] : memref<16x1040xf32, #tpu.memory_space<vmem_shared>> -> memref<1x1040xf32, #tpu.memory_space<vmem_shared>>
        %dma_wait3A_117 = tpu.memref_squeeze %dma_wait3A_116 : memref<1x1040xf32, #tpu.memory_space<vmem_shared>> -> memref<1040xf32, #tpu.memory_space<vmem_shared>>
        %dma_wait3A_118 = arith.constant 0 : i32
        %dma_wait3A_119 = tpu.memref_slice %arg18[%add3A_83, %dma_wait3A_118] : memref<16x1040xf32, #tpu.memory_space<vmem_shared>> -> memref<1x1040xf32, #tpu.memory_space<vmem_shared>>
        %dma_wait3A_120 = tpu.memref_squeeze %dma_wait3A_119 : memref<1x1040xf32, #tpu.memory_space<vmem_shared>> -> memref<1040xf32, #tpu.memory_space<vmem_shared>>
        tpu.wait_dma2 semaphore(%run_scoped3A : memref<!tpu.dma_semaphore, #tpu.memory_space<semaphore_mem>>) src(%dma_wait3A_120 : memref<1040xf32, #tpu.memory_space<vmem_shared>>) dst(%arg16 : memref<1040xf32, #tpu.memory_space<vmem>>)
        tpu.yield
      }) : () -> ()
      %get3A = arith.constant 1024 : index
      %get3A_84 = tpu.vector_load %arg15[%get3A] {strides = array<i32>} : memref<1040xf32, #tpu.memory_space<vmem>>, vector<16xf32>,
      %get3A_85 = arith.constant 1024 : index
      %get3A_86 = tpu.vector_load %arg16[%get3A_85] {strides = array<i32>} : memref<1040xf32, #tpu.memory_space<vmem>>, vector<16xf32>,
      %add3A_87 = arith.addf %get3A_84, %get3A_86 : vector<16xf32>
      %reduce_sum3A = arith.constant true
      %reduce_sum3A_88 = vector.broadcast %reduce_sum3A : i1 to vector<16xi1>
      %reduce_sum3A_89 = tpu.scan <sum>, %add3A_87 masked %reduce_sum3A_88 : vector<16xf32>, vector<16xi1> -> vector<16xf32>
      %reduce_sum3A_90 = vector.extract %reduce_sum3A_89[15] : f32 from vector<16xf32>
      %convert_element_type3A_91 = arith.fptosi %reduce_sum3A_90 : f32 to i32
      %convert_element_type3A_92 = arith.sitofp %convert_element_type3A_91 : i32 to f32
      %scan3A_93 = arith.constant 0.000000e+00 : f32
      %scan3A_94 = arith.constant -1 : i32
      %scan3A_95 = arith.constant 0 : i32
      %scan3A_96 = arith.constant 64 : i32
      %scan3A_97 = arith.addi %scan3A_95, %scan3A_96 : i32
      %scan3A_98 = arith.constant 1 : i32
      %scan3A_99:2 = scf.for %scan3A_110 = %scan3A_95 to %scan3A_97 step %scan3A_98 iter_args(%scan3A_111 = %scan3A_93, %scan3A_112 = %scan3A_94) -> (f32, i32)  : i32 {
        %mul3A_113 = arith.constant 16 : i32
        %mul3A_114 = arith.muli %scan3A_110, %mul3A_113 : i32
        %sub3A_115 = arith.constant 1008 : i32
        %sub3A_116 = arith.subi %sub3A_115, %mul3A_114 : i32
        %get3A_117 = arith.index_cast %sub3A_116 : i32 to index
        %get3A_118 = tpu.vector_load %arg15[%get3A_117] {strides = array<i32>} : memref<1040xf32, #tpu.memory_space<vmem>>, vector<16xf32>,
        %get3A_119 = arith.index_cast %sub3A_116 : i32 to index
        %get3A_120 = tpu.vector_load %arg16[%get3A_119] {strides = array<i32>} : memref<1040xf32, #tpu.memory_space<vmem>>, vector<16xf32>,
        %add3A_121 = arith.addf %get3A_118, %get3A_120 : vector<16xf32>
        %rev3A = arith.constant 15 : i32
        %rev3A_122 = vector.broadcast %rev3A : i32 to vector<16xi32>
        %rev3A_123 = tpu.iota {dimensions = array<i32: 0>} : vector<16xi32>
        %rev3A_124 = arith.subi %rev3A_122, %rev3A_123 : vector<16xi32>
        %rev3A_125 = tpu.dynamic_gather %add3A_121[%rev3A_124] in [0] : vector<16xf32>, vector<16xi32> -> vector<16xf32>
        %broadcast_in_dim3A_126 = arith.constant true
        %broadcast_in_dim3A_127 = vector.broadcast %broadcast_in_dim3A_126 : i1 to vector<16xi1>
        %masked_cumsum3A = tpu.scan <sum>, %rev3A_125 masked %broadcast_in_dim3A_127 : vector<16xf32>, vector<16xi1> -> vector<16xf32>
        %add3A_128 = vector.broadcast %scan3A_111 : f32 to vector<16xf32>
        %add3A_129 = arith.addf %masked_cumsum3A, %add3A_128 : vector<16xf32>
        %ge3A = vector.broadcast %convert_element_type3A_92 : f32 to vector<16xf32>
        %ge3A_130 = arith.cmpf oge, %add3A_129, %ge3A : vector<16xf32>
        %all_reduce_ffs3A = tpu.all_reduce %ge3A_130 {dim = 0 : i64, kind = #tpu.reduction_kind<find_first_set>} : vector<16xi1> -> vector<16xi32>
        %reduce_max3A = arith.constant true
        %reduce_max3A_131 = vector.broadcast %reduce_max3A : i1 to vector<16xi1>
        %reduce_max3A_132 = arith.constant -2147483648 : i32
        %reduce_max3A_133 = vector.broadcast %reduce_max3A_132 : i32 to vector<16xi32>
        %reduce_max3A_134 = arith.xori %all_reduce_ffs3A, %reduce_max3A_133 : vector<16xi32>
        %reduce_max3A_135 = tpu.scan <max>, %reduce_max3A_134 masked %reduce_max3A_131 : vector<16xi32>, vector<16xi1> -> vector<16xi32>
        %reduce_max3A_136 = arith.xori %reduce_max3A_135, %reduce_max3A_133 : vector<16xi32>
        %reduce_max3A_137 = vector.extract %reduce_max3A_136[15] : i32 from vector<16xi32>
        %add3A_138 = arith.constant 15 : i32
        %add3A_139 = arith.addi %sub3A_116, %add3A_138 : i32
        %sub3A_140 = arith.subi %add3A_139, %reduce_max3A_137 : i32
        %lt3A_141 = arith.constant 16 : i32
        %lt3A_142 = arith.cmpi slt, %reduce_max3A_137, %lt3A_141 : i32
        %lt3A_143 = arith.constant 0 : i32
        %lt3A_144 = arith.cmpi slt, %scan3A_112, %lt3A_143 : i32
        %and3A_145 = arith.andi %lt3A_142, %lt3A_144 : i1
        %select_n3A_146 = arith.select %and3A_145, %sub3A_140, %scan3A_112 : i32
        %reduce_sum3A_147 = arith.constant true
        %reduce_sum3A_148 = vector.broadcast %reduce_sum3A_147 : i1 to vector<16xi1>
        %reduce_sum3A_149 = tpu.scan <sum>, %add3A_121 masked %reduce_sum3A_148 : vector<16xf32>, vector<16xi1> -> vector<16xf32>
        %reduce_sum3A_150 = vector.extract %reduce_sum3A_149[15] : f32 from vector<16xf32>
        %add3A_151 = arith.addf %scan3A_111, %reduce_sum3A_150 : f32
        scf.yield %add3A_151, %select_n3A_146 : f32, i32
      }
      %scan3A_100 = arith.constant 64 : i32
      %max3A = arith.constant 0 : i32
      %max3A_101 = arith.maxsi %scan3A_99#1, %max3A : i32
      %convert_element_type3A_102 = arith.sitofp %max3A_101 : i32 to f32
      %mul3A_103 = arith.constant 7.812500e-03 : f32
      %mul3A_104 = arith.mulf %convert_element_type3A_102, %mul3A_103 : f32
      %add3A_105 = arith.constant -4.000000e+00 : f32
      %add3A_106 = arith.addf %add3A_105, %mul3A_104 : f32
      %broadcast_in_dim3A_107 = vector.broadcast %add3A_106 : f32 to vector<16xf32>
      %swap3A_108 = arith.constant 0 : index
      %swap3A_109 = tpu.vector_load %arg17[%swap3A_108] {strides = array<i32>} : memref<16xf32, #tpu.memory_space<vmem>>, vector<16xf32>,
      tpu.vector_store %arg17[%swap3A_108], %broadcast_in_dim3A_107 {strides = array<i32>} : memref<16xf32, #tpu.memory_space<vmem>>, vector<16xf32>,
      "tpu.region"() ({
        %run_scoped3A = tpu.sem_alloc : memref<!tpu.dma_semaphore, #tpu.memory_space<semaphore_mem>>
        %dma_start3A_110 = arith.constant 0 : i32
        %dma_start3A_111 = tpu.memref_slice %arg4[%add3A, %dma_start3A_110] : memref<16x16xf32, #tpu.memory_space<hbm>> -> memref<1x16xf32, #tpu.memory_space<hbm>>
        %dma_start3A_112 = tpu.memref_squeeze %dma_start3A_111 : memref<1x16xf32, #tpu.memory_space<hbm>> -> memref<16xf32, #tpu.memory_space<hbm>>
        %dma_start3A_113 = arith.constant 0 : i32
        %dma_start3A_114 = tpu.memref_slice %arg4[%add3A, %dma_start3A_113] : memref<16x16xf32, #tpu.memory_space<hbm>> -> memref<1x16xf32, #tpu.memory_space<hbm>>
        %dma_start3A_115 = tpu.memref_squeeze %dma_start3A_114 : memref<1x16xf32, #tpu.memory_space<hbm>> -> memref<16xf32, #tpu.memory_space<hbm>>
        tpu.enqueue_dma source(%arg17 : memref<16xf32, #tpu.memory_space<vmem>>) target(%dma_start3A_115 : memref<16xf32, #tpu.memory_space<hbm>>) target_semaphore(%run_scoped3A : memref<!tpu.dma_semaphore, #tpu.memory_space<semaphore_mem>>)
        %dma_wait3A = arith.constant 0 : i32
        %dma_wait3A_116 = tpu.memref_slice %arg4[%add3A, %dma_wait3A] : memref<16x16xf32, #tpu.memory_space<hbm>> -> memref<1x16xf32, #tpu.memory_space<hbm>>
        %dma_wait3A_117 = tpu.memref_squeeze %dma_wait3A_116 : memref<1x16xf32, #tpu.memory_space<hbm>> -> memref<16xf32, #tpu.memory_space<hbm>>
        %dma_wait3A_118 = arith.constant 0 : i32
        %dma_wait3A_119 = tpu.memref_slice %arg4[%add3A, %dma_wait3A_118] : memref<16x16xf32, #tpu.memory_space<hbm>> -> memref<1x16xf32, #tpu.memory_space<hbm>>
        %dma_wait3A_120 = tpu.memref_squeeze %dma_wait3A_119 : memref<1x16xf32, #tpu.memory_space<hbm>> -> memref<16xf32, #tpu.memory_space<hbm>>
        tpu.wait_dma2 semaphore(%run_scoped3A : memref<!tpu.dma_semaphore, #tpu.memory_space<semaphore_mem>>) src(%arg17 : memref<16xf32, #tpu.memory_space<vmem>>) dst(%dma_wait3A_120 : memref<16xf32, #tpu.memory_space<hbm>>)
        tpu.yield
      }) : () -> ()
    } else {
    }
    return
  }
}

module attributes {stable_mosaic.version = 14 : i64} {
  func.func @_dense_kernel(%arg0: i32, %arg1: memref<1x5x512x512xf32, #tpu.memory_space<vmem>>, %arg2: memref<1x5x512x512xf32, #tpu.memory_space<vmem>>, %arg3: memref<16x8xf32, #tpu.memory_space<smem>>) attributes {dimension_semantics = [#tpu.dimension_semantics<arbitrary>], iteration_bounds = array<i64: 16>, scalar_prefetch = 0 : i64, scratch_operands = 0 : i64, tpu.core_type = #tpu.core_type<tc>, window_params = [{transform_indices = @transform_0, window_bounds = array<i64: 1, 5, 512, 512>}, {transform_indices = @transform_1, window_bounds = array<i64: 1, 5, 512, 512>}, {transform_indices = @transform_2, window_bounds = array<i64: 16, 8>}]} {
    %get3A = arith.constant 0 : index
    %get3A_0 = arith.constant 0 : index
    %get3A_1 = arith.constant 0 : index
    %get3A_2 = arith.constant 0 : index
    %get3A_3 = vector.load %arg1[%get3A, %get3A_0, %get3A_1, %get3A_2] : memref<1x5x512x512xf32, #tpu.memory_space<vmem>>, vector<1x1x512x512xf32>
    %get3A_4 = vector.shape_cast %get3A_3 : vector<1x1x512x512xf32> to vector<512x512xf32>
    %get3A_5 = arith.constant 0 : index
    %get3A_6 = arith.constant 0 : index
    %get3A_7 = arith.constant 0 : index
    %get3A_8 = arith.constant 0 : index
    %get3A_9 = vector.load %arg2[%get3A_5, %get3A_6, %get3A_7, %get3A_8] : memref<1x5x512x512xf32, #tpu.memory_space<vmem>>, vector<1x1x512x512xf32>
    %get3A_10 = vector.shape_cast %get3A_9 : vector<1x1x512x512xf32> to vector<512x512xf32>
    %sub3A = arith.constant 1.000000e+00 : f32
    %sub3A_11 = vector.broadcast %sub3A : f32 to vector<512x512xf32>
    %sub3A_12 = arith.subf %sub3A_11, %get3A_10 : vector<512x512xf32>
    %add3A = arith.constant 1.000000e-03 : f32
    %add3A_13 = vector.broadcast %add3A : f32 to vector<512x512xf32>
    %add3A_14 = arith.addf %sub3A_12, %add3A_13 : vector<512x512xf32>
    %max3A = arith.constant 0.000000e+00 : f32
    %max3A_15 = vector.broadcast %max3A : f32 to vector<512x512xf32>
    %max3A_16 = arith.maximumf %get3A_4, %max3A_15 : vector<512x512xf32>
    %abs3A = math.absf %get3A_4 : vector<512x512xf32>
    %neg3A = arith.constant 0.000000e+00 : f32
    %neg3A_17 = vector.broadcast %neg3A : f32 to vector<512x512xf32>
    %neg3A_18 = arith.subf %neg3A_17, %abs3A : vector<512x512xf32>
    %exp3A = math.exp %neg3A_18 : vector<512x512xf32>
    %log1p3A = math.log1p %exp3A : vector<512x512xf32>
    %add3A_19 = arith.addf %max3A_16, %log1p3A : vector<512x512xf32>
    %mul3A = arith.mulf %get3A_4, %get3A_10 : vector<512x512xf32>
    %sub3A_20 = arith.subf %add3A_19, %mul3A : vector<512x512xf32>
    %reduce_sum3A = vector.shape_cast %get3A_10 : vector<512x512xf32> to vector<1x512x512xf32>
    %reduce_sum3A_21 = arith.constant dense<0.000000e+00> : vector<1xf32>
    %reduce_sum3A_22 = vector.multi_reduction <add>, %reduce_sum3A, %reduce_sum3A_21 [1, 2] : vector<1x512x512xf32> to vector<1xf32>
    %reduce_sum3A_23 = vector.shape_cast %reduce_sum3A_22 : vector<1xf32> to vector<1x1x1xf32>
    %reduce_sum3A_24 = vector.extract %reduce_sum3A_23[0, 0, 0] : f32 from vector<1x1x1xf32>
    %mul3A_25 = arith.mulf %sub3A_20, %get3A_10 : vector<512x512xf32>
    %reduce_sum3A_26 = vector.shape_cast %mul3A_25 : vector<512x512xf32> to vector<1x512x512xf32>
    %reduce_sum3A_27 = arith.constant dense<0.000000e+00> : vector<1xf32>
    %reduce_sum3A_28 = vector.multi_reduction <add>, %reduce_sum3A_26, %reduce_sum3A_27 [1, 2] : vector<1x512x512xf32> to vector<1xf32>
    %reduce_sum3A_29 = vector.shape_cast %reduce_sum3A_28 : vector<1xf32> to vector<1x1x1xf32>
    %reduce_sum3A_30 = vector.extract %reduce_sum3A_29[0, 0, 0] : f32 from vector<1x1x1xf32>
    %mul3A_31 = arith.mulf %sub3A_20, %add3A_14 : vector<512x512xf32>
    %reduce_sum3A_32 = vector.shape_cast %mul3A_31 : vector<512x512xf32> to vector<1x512x512xf32>
    %reduce_sum3A_33 = arith.constant dense<0.000000e+00> : vector<1xf32>
    %reduce_sum3A_34 = vector.multi_reduction <add>, %reduce_sum3A_32, %reduce_sum3A_33 [1, 2] : vector<1x512x512xf32> to vector<1xf32>
    %reduce_sum3A_35 = vector.shape_cast %reduce_sum3A_34 : vector<1xf32> to vector<1x1x1xf32>
    %reduce_sum3A_36 = vector.extract %reduce_sum3A_35[0, 0, 0] : f32 from vector<1x1x1xf32>
    %get3A_37 = arith.constant 0 : index
    %get3A_38 = arith.constant 1 : index
    %get3A_39 = arith.constant 0 : index
    %get3A_40 = arith.constant 0 : index
    %get3A_41 = vector.load %arg1[%get3A_37, %get3A_38, %get3A_39, %get3A_40] : memref<1x5x512x512xf32, #tpu.memory_space<vmem>>, vector<1x4x512x512xf32>
    %get3A_42 = vector.shape_cast %get3A_41 : vector<1x4x512x512xf32> to vector<4x512x512xf32>
    %get3A_43 = arith.constant 0 : index
    %get3A_44 = arith.constant 1 : index
    %get3A_45 = arith.constant 0 : index
    %get3A_46 = arith.constant 0 : index
    %get3A_47 = vector.load %arg2[%get3A_43, %get3A_44, %get3A_45, %get3A_46] : memref<1x5x512x512xf32, #tpu.memory_space<vmem>>, vector<1x4x512x512xf32>
    %get3A_48 = vector.shape_cast %get3A_47 : vector<1x4x512x512xf32> to vector<4x512x512xf32>
    %exp3A_49 = math.exp %get3A_42 : vector<4x512x512xf32>
    %reduce_sum3A_50 = arith.constant dense<0.000000e+00> : vector<512x512xf32>
    %reduce_sum3A_51 = vector.multi_reduction <add>, %exp3A_49, %reduce_sum3A_50 [0] : vector<4x512x512xf32> to vector<512x512xf32>
    %log3A = math.log %reduce_sum3A_51 : vector<512x512xf32>
    %reduce_sum3A_52 = arith.constant dense<0.000000e+00> : vector<512x512xf32>
    %reduce_sum3A_53 = vector.multi_reduction <add>, %get3A_48, %reduce_sum3A_52 [0] : vector<4x512x512xf32> to vector<512x512xf32>
    %mul3A_54 = arith.mulf %log3A, %reduce_sum3A_53 : vector<512x512xf32>
    %mul3A_55 = arith.mulf %get3A_48, %get3A_42 : vector<4x512x512xf32>
    %reduce_sum3A_56 = arith.constant dense<0.000000e+00> : vector<512x512xf32>
    %reduce_sum3A_57 = vector.multi_reduction <add>, %mul3A_55, %reduce_sum3A_56 [0] : vector<4x512x512xf32> to vector<512x512xf32>
    %sub3A_58 = arith.subf %mul3A_54, %reduce_sum3A_57 : vector<512x512xf32>
    %mul3A_59 = arith.mulf %sub3A_58, %get3A_10 : vector<512x512xf32>
    %reduce_sum3A_60 = vector.shape_cast %mul3A_59 : vector<512x512xf32> to vector<1x512x512xf32>
    %reduce_sum3A_61 = arith.constant dense<0.000000e+00> : vector<1xf32>
    %reduce_sum3A_62 = vector.multi_reduction <add>, %reduce_sum3A_60, %reduce_sum3A_61 [1, 2] : vector<1x512x512xf32> to vector<1xf32>
    %reduce_sum3A_63 = vector.shape_cast %reduce_sum3A_62 : vector<1xf32> to vector<1x1x1xf32>
    %reduce_sum3A_64 = vector.extract %reduce_sum3A_63[0, 0, 0] : f32 from vector<1x1x1xf32>
    %swap3A = arith.index_cast %arg0 : i32 to index
    %swap3A_65 = arith.constant 0 : index
    %swap3A_66 = memref.load %arg3[%swap3A, %swap3A_65] : memref<16x8xf32, #tpu.memory_space<smem>>
    memref.store %reduce_sum3A_24, %arg3[%swap3A, %swap3A_65] : memref<16x8xf32, #tpu.memory_space<smem>>
    %swap3A_67 = arith.index_cast %arg0 : i32 to index
    %swap3A_68 = arith.constant 1 : index
    %swap3A_69 = memref.load %arg3[%swap3A_67, %swap3A_68] : memref<16x8xf32, #tpu.memory_space<smem>>
    memref.store %reduce_sum3A_30, %arg3[%swap3A_67, %swap3A_68] : memref<16x8xf32, #tpu.memory_space<smem>>
    %swap3A_70 = arith.index_cast %arg0 : i32 to index
    %swap3A_71 = arith.constant 2 : index
    %swap3A_72 = memref.load %arg3[%swap3A_70, %swap3A_71] : memref<16x8xf32, #tpu.memory_space<smem>>
    memref.store %reduce_sum3A_36, %arg3[%swap3A_70, %swap3A_71] : memref<16x8xf32, #tpu.memory_space<smem>>
    %swap3A_73 = arith.index_cast %arg0 : i32 to index
    %swap3A_74 = arith.constant 3 : index
    %swap3A_75 = memref.load %arg3[%swap3A_73, %swap3A_74] : memref<16x8xf32, #tpu.memory_space<smem>>
    memref.store %reduce_sum3A_64, %arg3[%swap3A_73, %swap3A_74] : memref<16x8xf32, #tpu.memory_space<smem>>
    return
  }
  func.func @transform_0(%arg0: i32) -> (i32, i32, i32, i32) {
    %c0_i32 = arith.constant 0 : i32
    %c0_i32_0 = arith.constant 0 : i32
    %c0_i32_1 = arith.constant 0 : i32
    %c0_i32_2 = arith.constant 0 : i32
    return %arg0, %c0_i32, %c0_i32_0, %c0_i32_1 : i32, i32, i32, i32
  }
  func.func @transform_1(%arg0: i32) -> (i32, i32, i32, i32) {
    %c0_i32 = arith.constant 0 : i32
    %c0_i32_0 = arith.constant 0 : i32
    %c0_i32_1 = arith.constant 0 : i32
    %c0_i32_2 = arith.constant 0 : i32
    return %arg0, %c0_i32, %c0_i32_0, %c0_i32_1 : i32, i32, i32, i32
  }
  func.func @transform_2(%arg0: i32) -> (i32, i32) {
    %c0_i32 = arith.constant 0 : i32
    %c0_i32_0 = arith.constant 0 : i32
    %c0_i32_1 = arith.constant 0 : i32
    return %c0_i32, %c0_i32_0 : i32, i32
  }
}

module attributes {stable_mosaic.version = 14 : i64} {
  func.func @_lh_kernel(%arg0: i32, %arg1: memref<16x16xf32, #tpu.memory_space<smem>>, %arg2: memref<16x8xf32, #tpu.memory_space<smem>>, %arg3: memref<1x1x512x512xf32, #tpu.memory_space<vmem>>, %arg4: memref<1x1x512x512xf32, #tpu.memory_space<vmem>>, %arg5: memref<8xf32, #tpu.memory_space<smem>>) attributes {dimension_semantics = [#tpu.dimension_semantics<arbitrary>], iteration_bounds = array<i64: 16>, scalar_prefetch = 0 : i64, scratch_operands = 0 : i64, tpu.core_type = #tpu.core_type<tc>, window_params = [{transform_indices = @transform_0, window_bounds = array<i64: 16, 16>}, {transform_indices = @transform_1, window_bounds = array<i64: 16, 8>}, {transform_indices = @transform_2, window_bounds = array<i64: 1, 1, 512, 512>}, {transform_indices = @transform_3, window_bounds = array<i64: 1, 1, 512, 512>}, {transform_indices = @transform_4, window_bounds = array<i64: 8>}]} {
    %get3A = arith.constant 0 : index
    %get3A_0 = arith.constant 0 : index
    %get3A_1 = arith.constant 0 : index
    %get3A_2 = arith.constant 0 : index
    %get3A_3 = vector.load %arg3[%get3A, %get3A_0, %get3A_1, %get3A_2] : memref<1x1x512x512xf32, #tpu.memory_space<vmem>>, vector<1x1x512x512xf32>
    %get3A_4 = vector.shape_cast %get3A_3 : vector<1x1x512x512xf32> to vector<512x512xf32>
    %get3A_5 = arith.constant 0 : index
    %get3A_6 = arith.constant 0 : index
    %get3A_7 = arith.constant 0 : index
    %get3A_8 = arith.constant 0 : index
    %get3A_9 = vector.load %arg4[%get3A_5, %get3A_6, %get3A_7, %get3A_8] : memref<1x1x512x512xf32, #tpu.memory_space<vmem>>, vector<1x1x512x512xf32>
    %get3A_10 = vector.shape_cast %get3A_9 : vector<1x1x512x512xf32> to vector<512x512xf32>
    %sub3A = arith.constant 1.000000e+00 : f32
    %sub3A_11 = vector.broadcast %sub3A : f32 to vector<512x512xf32>
    %sub3A_12 = arith.subf %sub3A_11, %get3A_10 : vector<512x512xf32>
    %add3A = arith.constant 1.000000e-03 : f32
    %add3A_13 = vector.broadcast %add3A : f32 to vector<512x512xf32>
    %add3A_14 = arith.addf %sub3A_12, %add3A_13 : vector<512x512xf32>
    %mul3A = arith.mulf %get3A_4, %add3A_14 : vector<512x512xf32>
    %get3A_15 = arith.index_cast %arg0 : i32 to index
    %get3A_16 = arith.constant 0 : index
    %get3A_17 = memref.load %arg2[%get3A_15, %get3A_16] : memref<16x8xf32, #tpu.memory_space<smem>>
    %convert_element_type3A = arith.fptosi %get3A_17 : f32 to i32
    %convert_element_type3A_18 = arith.sitofp %convert_element_type3A : i32 to f32
    %get3A_19 = arith.index_cast %arg0 : i32 to index
    %get3A_20 = arith.constant 0 : index
    %get3A_21 = memref.load %arg1[%get3A_19, %get3A_20] : memref<16x16xf32, #tpu.memory_space<smem>>
    %gt3A = vector.broadcast %get3A_21 : f32 to vector<512x512xf32>
    %gt3A_22 = arith.cmpf ogt, %mul3A, %gt3A : vector<512x512xf32>
    %convert_element_type3A_23 = arith.extui %gt3A_22 : vector<512x512xi1> to vector<512x512xi32>
    %convert_element_type3A_24 = arith.sitofp %convert_element_type3A_23 : vector<512x512xi32> to vector<512x512xf32>
    %reduce_sum3A = vector.shape_cast %convert_element_type3A_24 : vector<512x512xf32> to vector<1x512x512xf32>
    %reduce_sum3A_25 = arith.constant dense<0.000000e+00> : vector<1xf32>
    %reduce_sum3A_26 = vector.multi_reduction <add>, %reduce_sum3A, %reduce_sum3A_25 [1, 2] : vector<1x512x512xf32> to vector<1xf32>
    %reduce_sum3A_27 = vector.shape_cast %reduce_sum3A_26 : vector<1xf32> to vector<1x1x1xf32>
    %reduce_sum3A_28 = vector.extract %reduce_sum3A_27[0, 0, 0] : f32 from vector<1x1x1xf32>
    %max3A = arith.constant 0.000000e+00 : f32
    %max3A_29 = vector.broadcast %max3A : f32 to vector<512x512xf32>
    %max3A_30 = arith.maximumf %mul3A, %max3A_29 : vector<512x512xf32>
    %abs3A = math.absf %mul3A : vector<512x512xf32>
    %neg3A = arith.constant 0.000000e+00 : f32
    %neg3A_31 = vector.broadcast %neg3A : f32 to vector<512x512xf32>
    %neg3A_32 = arith.subf %neg3A_31, %abs3A : vector<512x512xf32>
    %exp3A = math.exp %neg3A_32 : vector<512x512xf32>
    %log1p3A = math.log1p %exp3A : vector<512x512xf32>
    %add3A_33 = arith.addf %max3A_30, %log1p3A : vector<512x512xf32>
    %jit3A = arith.constant 0.000000e+00 : f32
    %broadcast_in_dim3A = vector.broadcast %jit3A : f32 to vector<512x512xf32>
    %select_n3A = arith.select %gt3A_22, %add3A_33, %broadcast_in_dim3A : vector<512x512xi1>, vector<512x512xf32>
    %reduce_sum3A_34 = vector.shape_cast %select_n3A : vector<512x512xf32> to vector<1x512x512xf32>
    %reduce_sum3A_35 = arith.constant dense<0.000000e+00> : vector<1xf32>
    %reduce_sum3A_36 = vector.multi_reduction <add>, %reduce_sum3A_34, %reduce_sum3A_35 [1, 2] : vector<1x512x512xf32> to vector<1xf32>
    %reduce_sum3A_37 = vector.shape_cast %reduce_sum3A_36 : vector<1xf32> to vector<1x1x1xf32>
    %reduce_sum3A_38 = vector.extract %reduce_sum3A_37[0, 0, 0] : f32 from vector<1x1x1xf32>
    %sub3A_39 = arith.subf %convert_element_type3A_18, %reduce_sum3A_28 : f32
    %max3A_40 = arith.constant 0.000000e+00 : f32
    %max3A_41 = arith.maximumf %get3A_21, %max3A_40 : f32
    %abs3A_42 = math.absf %get3A_21 : f32
    %neg3A_43 = arith.constant 0.000000e+00 : f32
    %neg3A_44 = arith.subf %neg3A_43, %abs3A_42 : f32
    %exp3A_45 = math.exp %neg3A_44 : f32
    %log1p3A_46 = math.log1p %exp3A_45 : f32
    %add3A_47 = arith.addf %max3A_41, %log1p3A_46 : f32
    %mul3A_48 = arith.mulf %sub3A_39, %add3A_47 : f32
    %add3A_49 = arith.addf %reduce_sum3A_38, %mul3A_48 : f32
    %max3A_50 = arith.constant 1.000000e+00 : f32
    %max3A_51 = arith.maximumf %convert_element_type3A_18, %max3A_50 : f32
    %div3A = arith.divf %add3A_49, %max3A_51 : f32
    %gt3A_52 = arith.constant 0 : i32
    %gt3A_53 = arith.cmpi sgt, %convert_element_type3A, %gt3A_52 : i32
    %jit3A_54 = arith.constant 0.000000e+00 : f32
    %select_n3A_55 = arith.select %gt3A_53, %div3A, %jit3A_54 : f32
    %eq3A = arith.constant 0 : i32
    %eq3A_56 = arith.cmpi eq, %arg0, %eq3A : i32
    %convert_element_type3A_57 = arith.extui %eq3A_56 : i1 to i32
    %cond3A = arith.constant 0 : i32
    %cond3A_58 = arith.cmpi ne, %convert_element_type3A_57, %cond3A : i32
    scf.if %cond3A_58 {
      %swap3A_68 = arith.constant 0.000000e+00 : f32
      %swap3A_69 = arith.constant 1 : index
      %swap3A_70 = memref.load %arg5[%swap3A_69] : memref<8xf32, #tpu.memory_space<smem>>
      memref.store %swap3A_68, %arg5[%swap3A_69] : memref<8xf32, #tpu.memory_space<smem>>
    } else {
    }
    %get3A_59 = arith.constant 1 : index
    %get3A_60 = memref.load %arg5[%get3A_59] : memref<8xf32, #tpu.memory_space<smem>>
    %add3A_61 = arith.addf %get3A_60, %select_n3A_55 : f32
    %swap3A = arith.constant 1 : index
    %swap3A_62 = memref.load %arg5[%swap3A] : memref<8xf32, #tpu.memory_space<smem>>
    memref.store %add3A_61, %arg5[%swap3A] : memref<8xf32, #tpu.memory_space<smem>>
    %eq3A_63 = arith.constant 15 : i32
    %eq3A_64 = arith.cmpi eq, %arg0, %eq3A_63 : i32
    %convert_element_type3A_65 = arith.extui %eq3A_64 : i1 to i32
    %cond3A_66 = arith.constant 0 : i32
    %cond3A_67 = arith.cmpi ne, %convert_element_type3A_65, %cond3A_66 : i32
    scf.if %cond3A_67 {
      %get3A_68 = arith.constant 0 : index
      %get3A_69 = arith.constant 0 : index
      %get3A_70 = memref.load %arg2[%get3A_68, %get3A_69] : memref<16x8xf32, #tpu.memory_space<smem>>
      %add3A_71 = arith.constant 0.000000e+00 : f32
      %add3A_72 = arith.addf %add3A_71, %get3A_70 : f32
      %get3A_73 = arith.constant 0 : index
      %get3A_74 = arith.constant 1 : index
      %get3A_75 = memref.load %arg2[%get3A_73, %get3A_74] : memref<16x8xf32, #tpu.memory_space<smem>>
      %add3A_76 = arith.constant 0.000000e+00 : f32
      %add3A_77 = arith.addf %add3A_76, %get3A_75 : f32
      %get3A_78 = arith.constant 0 : index
      %get3A_79 = arith.constant 2 : index
      %get3A_80 = memref.load %arg2[%get3A_78, %get3A_79] : memref<16x8xf32, #tpu.memory_space<smem>>
      %add3A_81 = arith.constant 0.000000e+00 : f32
      %add3A_82 = arith.addf %add3A_81, %get3A_80 : f32
      %get3A_83 = arith.constant 0 : index
      %get3A_84 = arith.constant 3 : index
      %get3A_85 = memref.load %arg2[%get3A_83, %get3A_84] : memref<16x8xf32, #tpu.memory_space<smem>>
      %add3A_86 = arith.constant 0.000000e+00 : f32
      %add3A_87 = arith.addf %add3A_86, %get3A_85 : f32
      %get3A_88 = arith.constant 1 : index
      %get3A_89 = arith.constant 0 : index
      %get3A_90 = memref.load %arg2[%get3A_88, %get3A_89] : memref<16x8xf32, #tpu.memory_space<smem>>
      %add3A_91 = arith.addf %add3A_72, %get3A_90 : f32
      %get3A_92 = arith.constant 1 : index
      %get3A_93 = arith.constant 1 : index
      %get3A_94 = memref.load %arg2[%get3A_92, %get3A_93] : memref<16x8xf32, #tpu.memory_space<smem>>
      %add3A_95 = arith.addf %add3A_77, %get3A_94 : f32
      %get3A_96 = arith.constant 1 : index
      %get3A_97 = arith.constant 2 : index
      %get3A_98 = memref.load %arg2[%get3A_96, %get3A_97] : memref<16x8xf32, #tpu.memory_space<smem>>
      %add3A_99 = arith.addf %add3A_82, %get3A_98 : f32
      %get3A_100 = arith.constant 1 : index
      %get3A_101 = arith.constant 3 : index
      %get3A_102 = memref.load %arg2[%get3A_100, %get3A_101] : memref<16x8xf32, #tpu.memory_space<smem>>
      %add3A_103 = arith.addf %add3A_87, %get3A_102 : f32
      %get3A_104 = arith.constant 2 : index
      %get3A_105 = arith.constant 0 : index
      %get3A_106 = memref.load %arg2[%get3A_104, %get3A_105] : memref<16x8xf32, #tpu.memory_space<smem>>
      %add3A_107 = arith.addf %add3A_91, %get3A_106 : f32
      %get3A_108 = arith.constant 2 : index
      %get3A_109 = arith.constant 1 : index
      %get3A_110 = memref.load %arg2[%get3A_108, %get3A_109] : memref<16x8xf32, #tpu.memory_space<smem>>
      %add3A_111 = arith.addf %add3A_95, %get3A_110 : f32
      %get3A_112 = arith.constant 2 : index
      %get3A_113 = arith.constant 2 : index
      %get3A_114 = memref.load %arg2[%get3A_112, %get3A_113] : memref<16x8xf32, #tpu.memory_space<smem>>
      %add3A_115 = arith.addf %add3A_99, %get3A_114 : f32
      %get3A_116 = arith.constant 2 : index
      %get3A_117 = arith.constant 3 : index
      %get3A_118 = memref.load %arg2[%get3A_116, %get3A_117] : memref<16x8xf32, #tpu.memory_space<smem>>
      %add3A_119 = arith.addf %add3A_103, %get3A_118 : f32
      %get3A_120 = arith.constant 3 : index
      %get3A_121 = arith.constant 0 : index
      %get3A_122 = memref.load %arg2[%get3A_120, %get3A_121] : memref<16x8xf32, #tpu.memory_space<smem>>
      %add3A_123 = arith.addf %add3A_107, %get3A_122 : f32
      %get3A_124 = arith.constant 3 : index
      %get3A_125 = arith.constant 1 : index
      %get3A_126 = memref.load %arg2[%get3A_124, %get3A_125] : memref<16x8xf32, #tpu.memory_space<smem>>
      %add3A_127 = arith.addf %add3A_111, %get3A_126 : f32
      %get3A_128 = arith.constant 3 : index
      %get3A_129 = arith.constant 2 : index
      %get3A_130 = memref.load %arg2[%get3A_128, %get3A_129] : memref<16x8xf32, #tpu.memory_space<smem>>
      %add3A_131 = arith.addf %add3A_115, %get3A_130 : f32
      %get3A_132 = arith.constant 3 : index
      %get3A_133 = arith.constant 3 : index
      %get3A_134 = memref.load %arg2[%get3A_132, %get3A_133] : memref<16x8xf32, #tpu.memory_space<smem>>
      %add3A_135 = arith.addf %add3A_119, %get3A_134 : f32
      %get3A_136 = arith.constant 4 : index
      %get3A_137 = arith.constant 0 : index
      %get3A_138 = memref.load %arg2[%get3A_136, %get3A_137] : memref<16x8xf32, #tpu.memory_space<smem>>
      %add3A_139 = arith.addf %add3A_123, %get3A_138 : f32
      %get3A_140 = arith.constant 4 : index
      %get3A_141 = arith.constant 1 : index
      %get3A_142 = memref.load %arg2[%get3A_140, %get3A_141] : memref<16x8xf32, #tpu.memory_space<smem>>
      %add3A_143 = arith.addf %add3A_127, %get3A_142 : f32
      %get3A_144 = arith.constant 4 : index
      %get3A_145 = arith.constant 2 : index
      %get3A_146 = memref.load %arg2[%get3A_144, %get3A_145] : memref<16x8xf32, #tpu.memory_space<smem>>
      %add3A_147 = arith.addf %add3A_131, %get3A_146 : f32
      %get3A_148 = arith.constant 4 : index
      %get3A_149 = arith.constant 3 : index
      %get3A_150 = memref.load %arg2[%get3A_148, %get3A_149] : memref<16x8xf32, #tpu.memory_space<smem>>
      %add3A_151 = arith.addf %add3A_135, %get3A_150 : f32
      %get3A_152 = arith.constant 5 : index
      %get3A_153 = arith.constant 0 : index
      %get3A_154 = memref.load %arg2[%get3A_152, %get3A_153] : memref<16x8xf32, #tpu.memory_space<smem>>
      %add3A_155 = arith.addf %add3A_139, %get3A_154 : f32
      %get3A_156 = arith.constant 5 : index
      %get3A_157 = arith.constant 1 : index
      %get3A_158 = memref.load %arg2[%get3A_156, %get3A_157] : memref<16x8xf32, #tpu.memory_space<smem>>
      %add3A_159 = arith.addf %add3A_143, %get3A_158 : f32
      %get3A_160 = arith.constant 5 : index
      %get3A_161 = arith.constant 2 : index
      %get3A_162 = memref.load %arg2[%get3A_160, %get3A_161] : memref<16x8xf32, #tpu.memory_space<smem>>
      %add3A_163 = arith.addf %add3A_147, %get3A_162 : f32
      %get3A_164 = arith.constant 5 : index
      %get3A_165 = arith.constant 3 : index
      %get3A_166 = memref.load %arg2[%get3A_164, %get3A_165] : memref<16x8xf32, #tpu.memory_space<smem>>
      %add3A_167 = arith.addf %add3A_151, %get3A_166 : f32
      %get3A_168 = arith.constant 6 : index
      %get3A_169 = arith.constant 0 : index
      %get3A_170 = memref.load %arg2[%get3A_168, %get3A_169] : memref<16x8xf32, #tpu.memory_space<smem>>
      %add3A_171 = arith.addf %add3A_155, %get3A_170 : f32
      %get3A_172 = arith.constant 6 : index
      %get3A_173 = arith.constant 1 : index
      %get3A_174 = memref.load %arg2[%get3A_172, %get3A_173] : memref<16x8xf32, #tpu.memory_space<smem>>
      %add3A_175 = arith.addf %add3A_159, %get3A_174 : f32
      %get3A_176 = arith.constant 6 : index
      %get3A_177 = arith.constant 2 : index
      %get3A_178 = memref.load %arg2[%get3A_176, %get3A_177] : memref<16x8xf32, #tpu.memory_space<smem>>
      %add3A_179 = arith.addf %add3A_163, %get3A_178 : f32
      %get3A_180 = arith.constant 6 : index
      %get3A_181 = arith.constant 3 : index
      %get3A_182 = memref.load %arg2[%get3A_180, %get3A_181] : memref<16x8xf32, #tpu.memory_space<smem>>
      %add3A_183 = arith.addf %add3A_167, %get3A_182 : f32
      %get3A_184 = arith.constant 7 : index
      %get3A_185 = arith.constant 0 : index
      %get3A_186 = memref.load %arg2[%get3A_184, %get3A_185] : memref<16x8xf32, #tpu.memory_space<smem>>
      %add3A_187 = arith.addf %add3A_171, %get3A_186 : f32
      %get3A_188 = arith.constant 7 : index
      %get3A_189 = arith.constant 1 : index
      %get3A_190 = memref.load %arg2[%get3A_188, %get3A_189] : memref<16x8xf32, #tpu.memory_space<smem>>
      %add3A_191 = arith.addf %add3A_175, %get3A_190 : f32
      %get3A_192 = arith.constant 7 : index
      %get3A_193 = arith.constant 2 : index
      %get3A_194 = memref.load %arg2[%get3A_192, %get3A_193] : memref<16x8xf32, #tpu.memory_space<smem>>
      %add3A_195 = arith.addf %add3A_179, %get3A_194 : f32
      %get3A_196 = arith.constant 7 : index
      %get3A_197 = arith.constant 3 : index
      %get3A_198 = memref.load %arg2[%get3A_196, %get3A_197] : memref<16x8xf32, #tpu.memory_space<smem>>
      %add3A_199 = arith.addf %add3A_183, %get3A_198 : f32
      %get3A_200 = arith.constant 8 : index
      %get3A_201 = arith.constant 0 : index
      %get3A_202 = memref.load %arg2[%get3A_200, %get3A_201] : memref<16x8xf32, #tpu.memory_space<smem>>
      %add3A_203 = arith.addf %add3A_187, %get3A_202 : f32
      %get3A_204 = arith.constant 8 : index
      %get3A_205 = arith.constant 1 : index
      %get3A_206 = memref.load %arg2[%get3A_204, %get3A_205] : memref<16x8xf32, #tpu.memory_space<smem>>
      %add3A_207 = arith.addf %add3A_191, %get3A_206 : f32
      %get3A_208 = arith.constant 8 : index
      %get3A_209 = arith.constant 2 : index
      %get3A_210 = memref.load %arg2[%get3A_208, %get3A_209] : memref<16x8xf32, #tpu.memory_space<smem>>
      %add3A_211 = arith.addf %add3A_195, %get3A_210 : f32
      %get3A_212 = arith.constant 8 : index
      %get3A_213 = arith.constant 3 : index
      %get3A_214 = memref.load %arg2[%get3A_212, %get3A_213] : memref<16x8xf32, #tpu.memory_space<smem>>
      %add3A_215 = arith.addf %add3A_199, %get3A_214 : f32
      %get3A_216 = arith.constant 9 : index
      %get3A_217 = arith.constant 0 : index
      %get3A_218 = memref.load %arg2[%get3A_216, %get3A_217] : memref<16x8xf32, #tpu.memory_space<smem>>
      %add3A_219 = arith.addf %add3A_203, %get3A_218 : f32
      %get3A_220 = arith.constant 9 : index
      %get3A_221 = arith.constant 1 : index
      %get3A_222 = memref.load %arg2[%get3A_220, %get3A_221] : memref<16x8xf32, #tpu.memory_space<smem>>
      %add3A_223 = arith.addf %add3A_207, %get3A_222 : f32
      %get3A_224 = arith.constant 9 : index
      %get3A_225 = arith.constant 2 : index
      %get3A_226 = memref.load %arg2[%get3A_224, %get3A_225] : memref<16x8xf32, #tpu.memory_space<smem>>
      %add3A_227 = arith.addf %add3A_211, %get3A_226 : f32
      %get3A_228 = arith.constant 9 : index
      %get3A_229 = arith.constant 3 : index
      %get3A_230 = memref.load %arg2[%get3A_228, %get3A_229] : memref<16x8xf32, #tpu.memory_space<smem>>
      %add3A_231 = arith.addf %add3A_215, %get3A_230 : f32
      %get3A_232 = arith.constant 10 : index
      %get3A_233 = arith.constant 0 : index
      %get3A_234 = memref.load %arg2[%get3A_232, %get3A_233] : memref<16x8xf32, #tpu.memory_space<smem>>
      %add3A_235 = arith.addf %add3A_219, %get3A_234 : f32
      %get3A_236 = arith.constant 10 : index
      %get3A_237 = arith.constant 1 : index
      %get3A_238 = memref.load %arg2[%get3A_236, %get3A_237] : memref<16x8xf32, #tpu.memory_space<smem>>
      %add3A_239 = arith.addf %add3A_223, %get3A_238 : f32
      %get3A_240 = arith.constant 10 : index
      %get3A_241 = arith.constant 2 : index
      %get3A_242 = memref.load %arg2[%get3A_240, %get3A_241] : memref<16x8xf32, #tpu.memory_space<smem>>
      %add3A_243 = arith.addf %add3A_227, %get3A_242 : f32
      %get3A_244 = arith.constant 10 : index
      %get3A_245 = arith.constant 3 : index
      %get3A_246 = memref.load %arg2[%get3A_244, %get3A_245] : memref<16x8xf32, #tpu.memory_space<smem>>
      %add3A_247 = arith.addf %add3A_231, %get3A_246 : f32
      %get3A_248 = arith.constant 11 : index
      %get3A_249 = arith.constant 0 : index
      %get3A_250 = memref.load %arg2[%get3A_248, %get3A_249] : memref<16x8xf32, #tpu.memory_space<smem>>
      %add3A_251 = arith.addf %add3A_235, %get3A_250 : f32
      %get3A_252 = arith.constant 11 : index
      %get3A_253 = arith.constant 1 : index
      %get3A_254 = memref.load %arg2[%get3A_252, %get3A_253] : memref<16x8xf32, #tpu.memory_space<smem>>
      %add3A_255 = arith.addf %add3A_239, %get3A_254 : f32
      %get3A_256 = arith.constant 11 : index
      %get3A_257 = arith.constant 2 : index
      %get3A_258 = memref.load %arg2[%get3A_256, %get3A_257] : memref<16x8xf32, #tpu.memory_space<smem>>
      %add3A_259 = arith.addf %add3A_243, %get3A_258 : f32
      %get3A_260 = arith.constant 11 : index
      %get3A_261 = arith.constant 3 : index
      %get3A_262 = memref.load %arg2[%get3A_260, %get3A_261] : memref<16x8xf32, #tpu.memory_space<smem>>
      %add3A_263 = arith.addf %add3A_247, %get3A_262 : f32
      %get3A_264 = arith.constant 12 : index
      %get3A_265 = arith.constant 0 : index
      %get3A_266 = memref.load %arg2[%get3A_264, %get3A_265] : memref<16x8xf32, #tpu.memory_space<smem>>
      %add3A_267 = arith.addf %add3A_251, %get3A_266 : f32
      %get3A_268 = arith.constant 12 : index
      %get3A_269 = arith.constant 1 : index
      %get3A_270 = memref.load %arg2[%get3A_268, %get3A_269] : memref<16x8xf32, #tpu.memory_space<smem>>
      %add3A_271 = arith.addf %add3A_255, %get3A_270 : f32
      %get3A_272 = arith.constant 12 : index
      %get3A_273 = arith.constant 2 : index
      %get3A_274 = memref.load %arg2[%get3A_272, %get3A_273] : memref<16x8xf32, #tpu.memory_space<smem>>
      %add3A_275 = arith.addf %add3A_259, %get3A_274 : f32
      %get3A_276 = arith.constant 12 : index
      %get3A_277 = arith.constant 3 : index
      %get3A_278 = memref.load %arg2[%get3A_276, %get3A_277] : memref<16x8xf32, #tpu.memory_space<smem>>
      %add3A_279 = arith.addf %add3A_263, %get3A_278 : f32
      %get3A_280 = arith.constant 13 : index
      %get3A_281 = arith.constant 0 : index
      %get3A_282 = memref.load %arg2[%get3A_280, %get3A_281] : memref<16x8xf32, #tpu.memory_space<smem>>
      %add3A_283 = arith.addf %add3A_267, %get3A_282 : f32
      %get3A_284 = arith.constant 13 : index
      %get3A_285 = arith.constant 1 : index
      %get3A_286 = memref.load %arg2[%get3A_284, %get3A_285] : memref<16x8xf32, #tpu.memory_space<smem>>
      %add3A_287 = arith.addf %add3A_271, %get3A_286 : f32
      %get3A_288 = arith.constant 13 : index
      %get3A_289 = arith.constant 2 : index
      %get3A_290 = memref.load %arg2[%get3A_288, %get3A_289] : memref<16x8xf32, #tpu.memory_space<smem>>
      %add3A_291 = arith.addf %add3A_275, %get3A_290 : f32
      %get3A_292 = arith.constant 13 : index
      %get3A_293 = arith.constant 3 : index
      %get3A_294 = memref.load %arg2[%get3A_292, %get3A_293] : memref<16x8xf32, #tpu.memory_space<smem>>
      %add3A_295 = arith.addf %add3A_279, %get3A_294 : f32
      %get3A_296 = arith.constant 14 : index
      %get3A_297 = arith.constant 0 : index
      %get3A_298 = memref.load %arg2[%get3A_296, %get3A_297] : memref<16x8xf32, #tpu.memory_space<smem>>
      %add3A_299 = arith.addf %add3A_283, %get3A_298 : f32
      %get3A_300 = arith.constant 14 : index
      %get3A_301 = arith.constant 1 : index
      %get3A_302 = memref.load %arg2[%get3A_300, %get3A_301] : memref<16x8xf32, #tpu.memory_space<smem>>
      %add3A_303 = arith.addf %add3A_287, %get3A_302 : f32
      %get3A_304 = arith.constant 14 : index
      %get3A_305 = arith.constant 2 : index
      %get3A_306 = memref.load %arg2[%get3A_304, %get3A_305] : memref<16x8xf32, #tpu.memory_space<smem>>
      %add3A_307 = arith.addf %add3A_291, %get3A_306 : f32
      %get3A_308 = arith.constant 14 : index
      %get3A_309 = arith.constant 3 : index
      %get3A_310 = memref.load %arg2[%get3A_308, %get3A_309] : memref<16x8xf32, #tpu.memory_space<smem>>
      %add3A_311 = arith.addf %add3A_295, %get3A_310 : f32
      %get3A_312 = arith.constant 15 : index
      %get3A_313 = arith.constant 0 : index
      %get3A_314 = memref.load %arg2[%get3A_312, %get3A_313] : memref<16x8xf32, #tpu.memory_space<smem>>
      %add3A_315 = arith.addf %add3A_299, %get3A_314 : f32
      %get3A_316 = arith.constant 15 : index
      %get3A_317 = arith.constant 1 : index
      %get3A_318 = memref.load %arg2[%get3A_316, %get3A_317] : memref<16x8xf32, #tpu.memory_space<smem>>
      %add3A_319 = arith.addf %add3A_303, %get3A_318 : f32
      %get3A_320 = arith.constant 15 : index
      %get3A_321 = arith.constant 2 : index
      %get3A_322 = memref.load %arg2[%get3A_320, %get3A_321] : memref<16x8xf32, #tpu.memory_space<smem>>
      %add3A_323 = arith.addf %add3A_307, %get3A_322 : f32
      %get3A_324 = arith.constant 15 : index
      %get3A_325 = arith.constant 3 : index
      %get3A_326 = memref.load %arg2[%get3A_324, %get3A_325] : memref<16x8xf32, #tpu.memory_space<smem>>
      %add3A_327 = arith.addf %add3A_311, %get3A_326 : f32
      %add3A_328 = arith.constant 1.000000e-03 : f32
      %add3A_329 = arith.addf %add3A_315, %add3A_328 : f32
      %mul3A_330 = arith.constant 0x4A800000 : f32
      %mul3A_331 = arith.constant 1.001000e+00 : f32
      %mul3A_332 = arith.mulf %mul3A_330, %mul3A_331 : f32
      %sub3A_333 = arith.subf %mul3A_332, %add3A_315 : f32
      %mul3A_334 = arith.constant 1.500000e+01 : f32
      %mul3A_335 = arith.mulf %mul3A_334, %add3A_319 : f32
      %div3A_336 = arith.divf %mul3A_335, %add3A_329 : f32
      %div3A_337 = arith.divf %add3A_323, %sub3A_333 : f32
      %get3A_338 = arith.constant 1 : index
      %get3A_339 = memref.load %arg5[%get3A_338] : memref<8xf32, #tpu.memory_space<smem>>
      %div3A_340 = arith.constant 1.600000e+01 : f32
      %div3A_341 = arith.divf %get3A_339, %div3A_340 : f32
      %mul3A_342 = arith.constant 5.000000e+00 : f32
      %mul3A_343 = arith.mulf %mul3A_342, %div3A_341 : f32
      %div3A_344 = arith.divf %add3A_327, %add3A_329 : f32
      %add3A_345 = arith.addf %div3A_336, %div3A_337 : f32
      %add3A_346 = arith.addf %add3A_345, %mul3A_343 : f32
      %add3A_347 = arith.addf %add3A_346, %div3A_344 : f32
      %swap3A_348 = arith.constant 0 : index
      %swap3A_349 = memref.load %arg5[%swap3A_348] : memref<8xf32, #tpu.memory_space<smem>>
      memref.store %add3A_347, %arg5[%swap3A_348] : memref<8xf32, #tpu.memory_space<smem>>
    } else {
    }
    return
  }
  func.func @transform_0(%arg0: i32) -> (i32, i32) {
    %c0_i32 = arith.constant 0 : i32
    %c0_i32_0 = arith.constant 0 : i32
    %c0_i32_1 = arith.constant 0 : i32
    return %c0_i32, %c0_i32_0 : i32, i32
  }
  func.func @transform_1(%arg0: i32) -> (i32, i32) {
    %c0_i32 = arith.constant 0 : i32
    %c0_i32_0 = arith.constant 0 : i32
    %c0_i32_1 = arith.constant 0 : i32
    return %c0_i32, %c0_i32_0 : i32, i32
  }
  func.func @transform_2(%arg0: i32) -> (i32, i32, i32, i32) {
    %c0_i32 = arith.constant 0 : i32
    %c0_i32_0 = arith.constant 0 : i32
    %c0_i32_1 = arith.constant 0 : i32
    %c0_i32_2 = arith.constant 0 : i32
    return %arg0, %c0_i32, %c0_i32_0, %c0_i32_1 : i32, i32, i32, i32
  }
  func.func @transform_3(%arg0: i32) -> (i32, i32, i32, i32) {
    %c0_i32 = arith.constant 0 : i32
    %c0_i32_0 = arith.constant 0 : i32
    %c0_i32_1 = arith.constant 0 : i32
    %c0_i32_2 = arith.constant 0 : i32
    return %arg0, %c0_i32, %c0_i32_0, %c0_i32_1 : i32, i32, i32, i32
  }
  func.func @transform_4(%arg0: i32) -> i32 {
    %c0_i32 = arith.constant 0 : i32
    %c0_i32_0 = arith.constant 0 : i32
    return %c0_i32 : i32
  }
}

</mosaic_0001>

<sc_bundles>
// kernel: kernel.5.cloned.1.call-start
scs
__scs_entry_jumppad:
0x0: {  	(pc) =	sbr.rel $0x88, $3  }
0x1: {  	(tag) =	ssettag $0x0;
	lr =	simm.s32 $0x1  }
0x2: {  	[smem:$0x3F9F] =	sst lr;
	_ =	strace $0xD0000000  }
0x3: {  	_ = 	snop  }
0x4: {  	_ = 	snop  }
0x5: {  	_ = 	snop  }
0x6: {  	_ = 	snop  }
0x7: {  	_ = 	snop  }
__scs_overlays_trampoline_lowered:
0x8: {  	[smem:$0x3FAE] =	sst s0  }
0x9: {  	[smem:$0x3FAF] =	sst s1  }
0xa: {  	[smem:$0x3FB0] =	sst s2  }
0xb: {  	[smem:$0x3FB1] =	sst s3  }
0xc: {  	[smem:$0x3FB2] =	sst s4  }
0xd: {  	[smem:$0x3FB3] =	sst s5  }
0xe: {  	[smem:$0x3FB4] =	sst s6  }
0xf: {  	[smem:$0x3FB5] =	sst s7  }
0x10: {  	[smem:$0x3FB6] =	sst s8  }
0x11: {  	[smem:$0x3FB7] =	sst s9;
	s0 =	simm.s32 @!p0 $0x0  }
0x12: {  	s1 =	sld [smem:$0x3F9D];
	s0 =	simm.s32 @p0 $0x1  }
0x13: {  	[smem:$0x3FB8] =	sst s0;
	s0 =	simm.s32 @!p1 $0x0  }
0x14: {  	s2 =	sld [smem:$0x3F9C];
	s0 =	simm.s32 @p1 $0x1  }
0x15: {  	[smem:$0x3FB9] =	sst s0;
	s0 =	simm.s32 @!p2 $0x0  }
0x16: {  	s3 =	sld [smem:$0x3FDB];
	s0 =	simm.s32 @p2 $0x1  }
0x17: {  	s4 =	simm.s32 $0x1BF5;
	[smem:$0x3FBB] =	sst s0  }
0x18: {  	s0 =	sld [smem:$0x3F9E];
	_ =	swait.ge [sflag:s4], $0x0  }
0x19: {  	s7 =	sld [smem:$0x3F9F]  }
0x1a: {  	s8 =	sadd.s32 $0xFFFFE003, lr  }
0x1b: {  	s9 =	sadd.s32 $0xFFFFFEF7, lr;
	s5 =	simm.s32 $0xFFFFFFFF;
	p2 =	slt.u32 s8, $0xFFFFF086  }
0x1c: {  	p1 =	slt.u32 s9, $0xF7A;
	s5 =	simm.s32 @!p2 $0x0  }
0x1d: {  	s5 =	simm.s32 @p1 $0x1;
	p0 =	seq.s32 s7, s2  }
0x1e: {  	s7 =	smul.u32 @!p0 $0xF7A, s2;
	p2 =	seq.s32 @!p0 s5, $0x0  }
0x1f: {  	s9 =	smul.u32 $0xF7A, s1;
	s8 =	simm.s32 @!p0 $0x1BF5;
	p2 =	por !p2, p0  }
0x20: {  	[sflag:s8] =	ssyncset.s32 @!p0 $0xFFFFF086;
	s6 =	sadd.s32 @!p0 s3, s7;
	s7 =	simm.s32 @!p0 $0x108  }
0x21: {  	s3 =	sadd.s32 s3, s9;
	s6 =	sadd.s32 @!p0 $0x88, s6;
	s7 =	simm.s32 @p2 $0x1082  }
0x22: {  	[simem:s7], [sflag:s8] =	dma.local @!p0 [hbm:s6], $0xF7A  }
0x23: {  	s9 =	sor.u32 $0xD0000000, s2;
	s6 =	simm.s32 $0x108;
	_ =	swait.ge @!p0 [sflag:s8], $0x0  }
0x24: {  	s3 =	sadd.s32 $0x88, s3;
	s6 =	simm.s32 @!p1 $0x1082;
	[sflag:s4] =	ssyncset.s32 $0xFFFFF086  }
0x25: {  	[simem:s6], [sflag:s4] =	dma.local [hbm:s3], $0xF7A  }
0x26: {  	[smem:$0x3F9F] =	sst s1;
	(tag) =	ssettag s2;
	_ =	strace s9  }
0x27: {  	s1 =	sld [smem:$0x3FAF]  }
0x28: {  	s2 =	sld [smem:$0x3FB0]  }
0x29: {  	s4 =	sld [smem:$0x3FB2]  }
0x2a: {  	p0 =	seq.s32 s5, $0x0;
	s5 =	sld [smem:$0x3FB3]  }
0x2b: {  	s6 =	sld [smem:$0x3FB4]  }
0x2c: {  	s7 =	sld [smem:$0x3FB5]  }
0x2d: {  	s3 =	simm.s32 $0x108;
	s8 =	sld [smem:$0x3FB6]  }
0x2e: {  	s3 =	simm.s32 @!p0 $0x1082;
	s9 =	sld [smem:$0x3FB7]  }
0x2f: {  	lr =	sadd.s32 s0, s3;
	s0 =	sld [smem:$0x3FAE]  }
0x30: {  	s3 =	sld [smem:$0x3FB1]  }
0x31: {  	[smem:$0x3FBA] =	sst s10  }
0x32: {  	s10 =	sld [smem:$0x3FB8];
	_ =	sdelay $0x3  }
0x33: {  	p0 =	seq.s32 s10, $0x1;
	s10 =	sld [smem:$0x3FBA];
	_ =	sdelay $0x3  }
0x34: {  	[smem:$0x3FBA] =	sst s10  }
0x35: {  	s10 =	sld [smem:$0x3FB9];
	_ =	sdelay $0x3  }
0x36: {  	p1 =	seq.s32 s10, $0x1;
	s10 =	sld [smem:$0x3FBA];
	_ =	sdelay $0x3  }
0x37: {  	[smem:$0x3FBA] =	sst s10  }
0x38: {  	s10 =	sld [smem:$0x3FBB]  }
0x39: {  	_ = 	snop;
	(pc) =	sbr.ind lr, $3  }
0x3a: {  	_ = 	snop  }
0x3b: {  	_ = 	snop  }
0x3c: {  	p2 =	seq.s32 s10, $0x1;
	s10 =	sld [smem:$0x3FBA]  }
0x3d: {  	_ =	shalt  }
0x3e: {  	_ =	shalt  }
0x3f: {  	_ =	shalt  }
0x40: {  	_ =	shalt  }
0x41: {  	_ =	shalt  }
0x42: {  	_ =	shalt  }
0x43: {  	_ =	shalt  }
0x44: {  	_ =	shalt  }
0x45: {  	_ =	shalt  }
0x46: {  	_ =	shalt  }
0x47: {  	_ =	shalt  }
0x48: {  	_ =	shalt  }
0x49: {  	_ =	shalt  }
0x4a: {  	_ =	shalt  }
0x4b: {  	_ =	shalt  }
0x4c: {  	_ =	shalt  }
0x4d: {  	_ =	shalt  }
0x4e: {  	_ =	shalt  }
0x4f: {  	_ =	shalt  }
0x50: {  	_ =	shalt  }
0x51: {  	_ =	shalt  }
0x52: {  	_ =	shalt  }
0x53: {  	_ =	shalt  }
0x54: {  	_ =	shalt  }
0x55: {  	_ =	shalt  }
0x56: {  	_ =	shalt  }
0x57: {  	_ =	shalt  }
0x58: {  	_ =	shalt  }
0x59: {  	_ =	shalt  }
0x5a: {  	_ =	shalt  }
0x5b: {  	_ =	shalt  }
0x5c: {  	_ =	shalt  }
0x5d: {  	_ =	shalt  }
0x5e: {  	_ =	shalt  }
0x5f: {  	_ =	shalt  }
0x60: {  	_ =	shalt  }
0x61: {  	_ =	shalt  }
0x62: {  	_ =	shalt  }
0x63: {  	_ =	shalt  }
0x64: {  	_ =	shalt  }
0x65: {  	_ =	shalt  }
0x66: {  	_ =	shalt  }
0x67: {  	_ =	shalt  }
0x68: {  	_ =	shalt  }
0x69: {  	_ =	shalt  }
0x6a: {  	_ =	shalt  }
0x6b: {  	_ =	shalt  }
0x6c: {  	_ =	shalt  }
0x6d: {  	_ =	shalt  }
0x6e: {  	_ =	shalt  }
0x6f: {  	_ =	shalt  }
0x70: {  	_ =	shalt  }
0x71: {  	_ =	shalt  }
0x72: {  	_ =	shalt  }
0x73: {  	_ =	shalt  }
0x74: {  	_ =	shalt  }
0x75: {  	_ =	shalt  }
0x76: {  	_ =	shalt  }
0x77: {  	_ =	shalt  }
0x78: {  	_ =	shalt  }
0x79: {  	_ =	shalt  }
0x7a: {  	_ =	shalt  }
0x7b: {  	_ =	shalt  }
0x7c: {  	_ =	shalt  }
0x7d: {  	_ =	shalt  }
0x7e: {  	_ =	shalt  }
0x7f: {  	_ =	shalt  }
0x80: {  	_ =	shalt  }
0x81: {  	_ =	shalt  }
0x82: {  	_ =	shalt  }
0x83: {  	_ =	shalt  }
0x84: {  	_ =	shalt  }
0x85: {  	_ =	shalt  }
0x86: {  	_ =	shalt  }
0x87: {  	_ =	shalt  }
.Lfunc_end0:
.L_simem_size_0:
called_computation_lowered:
.L_overlay_start_0:
0x88: {  	s2 =	sld [smem:$0x3FD9]  }
0x89: {  	s3 =	sld [smem:$0x3FFE];
	_ =	sdelay $0x1  }
0x8a: {  	s1 =	srdreg.scid  }
0x8b: {  	s0 =	sand.u32 $0x1, s1  }
0x8c: {  	s17 =	sshll.u32 s0, $0xA;
	s2 =	sadd.s32 s3, s2  }
0x8d: {  	s2 =	sadd.s32 s2, s17  }
0x8e: {  	[smem:$0x3FC6] =	sst s2  }
0x8f: {  	_ = 	snop  }
0x90: {  	s2 =	sld [smem:$0x3FC9]  }
0x91: {  	s18 =	sld [smem:$0x3FC8];
	(tm) =	ssettm $0x1  }
0x92: {  	s4 =	sld [smem:$0x3FFB];
	_ =	sdelay $0x3  }
0x93: {  	_ =	strace s4  }
0x94: {  	s4 =	sld [smem:$0x3FFC];
	_ =	sdelay $0x3  }
0x95: {  	_ =	strace s4  }
0x96: {  	s4 =	sld [smem:$0x3FFD];
	_ =	sdelay $0x3  }
0x97: {  	_ =	strace s4  }
0x98: {  	_ =	strace $0x8FFFFFFF  }
0x99: {  	s19 =	sld [smem:$0x3FDB];
	_ =	sdelay $0x1  }
0x9a: {  	s5 =	simm.s32 $_scs_section_size  }
0x9b: {  	s6 =	simm.s32 $_size__tile_overlayer_lowered;
	s7 =	simm.s32 $_tile_overlayer_lowered  }
0x9c: {  	s22 =	simm.s32 $0x1BFF;
	s21 =	sshll.u32 s7, $0x1;
	s4 =	sadd.s32 s5, s19  }
0x9d: {  	s8 =	simm.s32 $0x0;
	s20 =	sshll.u32 s6, $0x1;
	s6 =	sadd.s32 s21, s4  }
0x9e: {  	[timem:s8], [sflag:s22] =	dma.local [hbm:s6], s20  }
0x9f: {  	_ =	swait.ge [sflag:s22], s20  }
0xa0: {  	s5 =	ssub.s32 $0x0, s20;
	[sflag:s22] =	ssyncset.done $0x0  }
0xa1: {  	[sflag:s22] =	ssyncadd.s32 s5;
	_ =	sdelay $0x1  }
0xa2: {  	s23 =	simm.s32 $0x1B8B  }
0xa3: {  	_ =	swait.ge [sflag:s23], $0x1  }
0xa4: {  	[sflag:s23] =	ssyncset.done $0x0  }
0xa5: {  	s25 =	simm.s32 $0x1B8E;
	s24 =	sld [smem:$0x3FFE];
	[sflag:s23] =	ssyncadd.s32 $0xFFFFFFFF  }
0xa6: {  	s26 =	simm.s32 $execute0_lowered;
	[smem:$0x3FD2] =	sst s25  }
0xa7: {  	s6 =	sshll.u32 s26, $0x1;
	_ =	strace $0x80000046;
	[dreg:$0x1] =	wrdreg $0xFFFFFFFF  }
0xa8: {  	s28 =	simm.s32 $_size_execute0_lowered;
	s4 =	sadd.s32 s4, s6;
	[dreg:$0x0] =	wrdreg $0x0  }
0xa9: {  	s6 =	sshll.u32 s28, $0x1;
	[dreg:$0x2] =	wrdreg s4  }
0xaa: {  	[dreg:$0x3] =	wrdreg s6  }
0xab: {  	[dreg:$0x4] =	wrdreg $0xC0  }
0xac: {  	_ =	task [dreg:s8], $0x5FFFF  }
0xad: {  	[dreg:$0x1] =	wrdreg $0xFFFFFFFF  }
0xae: {  	[dreg:$0x0] =	wrdreg $0x60  }
0xaf: {  	[dreg:$0x2] =	wrdreg s2  }
0xb0: {  	[dreg:$0x3] =	wrdreg s18  }
0xb1: {  	[dreg:$0x4] =	wrdreg s24  }
0xb2: {  	[dreg:$0x5] =	wrdreg $0xE1800  }
0xb3: {  	[dreg:$0x6] =	wrdreg $0x9  }
0xb4: {  	_ =	task.clear_ibuf [dreg:s8], $0x7FFFF;
	_ =	strace $0x90000046  }
0xb5: {  	s29 =	simm.s32 $0x9;
	_ =	strace $0x80000048  }
0xb6: {  	_ =	swait.ge [sflag:s29], $0x1  }
0xb7: {  	[sflag:s29] =	ssyncadd.s32 $0xFFFFFFFF  }
0xb8: {  	_ =	strace $0x90000048  }
0xb9: {  	_ =	sfence  }
0xba: {  	s30 =	sld [smem:$0x0];
	_ =	sdelay $0x2  }
0xbb: {  	s31 =	sshll.u32 s1, $0xD;
	s1 =	sshrl.u32 s1, $0x2  }
0xbc: {  	s3 =	sand.u32 $0x4000, s31;
	s1 =	sadd.s32 s1, s30  }
0xbd: {  	s0 =	sor.u32 s3, s0;
	s1 =	sshll.u32 s1, $0x11  }
0xbe: {  	s0 =	sor.u32 s1, s0  }
0xbf: {  	s0 =	sadd.s32 $0x8F2B, s0  }
0xc0: {  	[sflag:s0] =	ssyncadd.remote.s32 $0x1  }
0xc1: {  	_ =	sfence.sel $0xFFFF  }
0xc2: {  	[dreg:$0x0] =	wrdreg $0xFFFFFFFF;
	(pc) =	sbr.abs _section_cstart, $3  }
0xc3: {  	[dreg:$0x1] =	wrdreg $0xFFFFFFFF  }
0xc4: {  	_ =	task.clear_ibuf [dreg:s8], $0x2FFFF;
	_ =	strace $0x9FFFFFFF  }
0xc5: {  	(tm) =	ssettm $0x7FFFFFFF  }
tec
execute0_lowered:
.L_overlay_start_1:
0x0: {  	(tag) =	ssettag $0x1  }
0x1: {  	s1 =	rddreg [dreg:$0x0]  }
0x2: {  	s2 =	rddreg [dreg:$0x1]  }
0x3: {  	s3 =	rddreg [dreg:$0x2]  }
0x4: {  	s10 =	rddreg [dreg:$0x3];
	s0 =	srdreg.scid  }
0x5: {  	s15 =	stileid.u32;
	s4 =	simm.s32 $0x0;
	s16 =	simm.s32 $0x6000  }
0x6: {  	v0 =	vimm.s32 $0x2780;
	vm0 =	vcmask $0x300;
	s17 =	simm.s32 $0x1;
	s18 =	simm.s32 $0x2;
	s19 =	simm.s32 $0x8000  }
0x7: {  	vm14 =	vcmask $0x704;
	s20 =	simm.s32 $0x3;
	s21 =	simm.s32 $0x4;
	s29 =	simm.s32 $0x0;
	v0 =	vsel vm0, $0x0, v0  }
0x8: {  	vm15 =	vcmask $0xB08;
	s6 =	sand.u32 $0x1, s0;
	s11 =	sshrl.u32 s15, $0x1;
	[smem:$0x7FF] =	sst s4;
	v0 =	vsel vm14, $0x80, v0  }
0x9: {  	vm4 =	vcmask $0xF0C;
	s24 =	sand.u32 $0x1, s15;
	s8 =	sshrl.u32 s15, $0x3;
	s26 =	sshll.u32 s15, $0x7;
	v0 =	vsel vm15, $0x100, v0  }
0xa: {  	vm5 =	vcmask $0x1310;
	s15 =	simm.s32 $0x4000;
	s0 =	sshll.u32 s6, $0x3;
	s7 =	sshll.u32 s6, $0x7;
	v0 =	vsel vm4, $0x180, v0  }
0xb: {  	vm6 =	vcmask $0x1714;
	_ =	strace $0x80000047;
	s25 =	sshll.u32 s24, $0x11;
	s6 =	ssub.s32 $0x2, s6;
	v0 =	vsel vm5, $0x200, v0  }
0xc: {  	vm7 =	vcmask $0x1B18;
	s13 =	smul.u32 $0x9000, s8;
	s28 =	sand.u32 $0x300, s26;
	p0 =	seq.s32 s24, $0x0;
	v0 =	vsel vm6, $0x280, v0  }
0xd: {  	vm8 =	vcmask $0x1F1C;
	s5 =	sor.u32 s11, s0;
	s3 =	sadd.s32 s7, s3;
	s9 =	sshrl.u32 s6, $0x1;
	v0 =	vsel vm7, $0x300, v0  }
0xe: {  	vm9 =	vcmask $0x2320;
	s11 =	sshll.u32 s11, $0x4;
	s5 =	smul.u32 $0x140000, s5;
	s14 =	ssub.s32 s6, s9;
	v0 =	vsel vm8, $0x380, v0  }
0xf: {  	vm10 =	vcmask $0x2724;
	s6 =	sshll.u32 s24, $0x8;
	s13 =	sshrl.u32 s13, $0x2;
	s3 =	sadd.s32 s11, s3;
	v0 =	vsel vm9, $0x2400, v0  }
0x10: {  	vm11 =	vcmask $0x2B28;
	s9 =	sor.u32 $0x20, s6;
	s10 =	sadd.s32 s13, s10;
	s3 =	sadd.s32 $0x600, s3;
	v0 =	vsel vm10, $0x2480, v0  }
.Ltmp0:
0x11: {  	vm12 =	vcmask $0x2F2C;
	v1 =	vlaneseq.u32;
	s7 =	sor.u32 s25, s5;
	s13 =	sadd.s32 s28, s10;
	v0 =	vsel vm11, $0x2500, v0;
	(pc) =	sbr.rel .LBB2_1-.Ltmp0, $4  }
0x12: {  	vm13 =	vcmask $0x3330;
	v3 =	vmul.u32 $0xFFFFFFFF, v1;
	[dreg:$0x7] =	wrdreg s3;
	s12 =	sshrl.u32 s7, $0x3;
	s31 =	sadd.s32 $0x80, s13;
	v0 =	vsel vm12, $0x2580, v0  }
0x13: {  	vm14 =	vcmask $0x3734;
	s7 =	sadd.s32 s1, s12;
	s8 =	sadd.s32 s2, s12;
	s12 =	sand.u32 $0x380, s26;
	v2 =	vsel vm13, $0x2600, v0  }
0x14: {  	vm15 =	vcmask $0x3B38;
	v3 =	vadd.s32 $0xF, v3;
	s25 =	smax.u32 s14, $0x1;
	[dreg:$0x6] =	wrdreg s31;
	s30 =	sadd.s32 s12, s10;
	v1 =	vsel vm14, $0x2680, v2  }
0x15: {  	s13 =	simm.s32 $0x2000;
	s12 =	simm.s32 $0x0;
	[dreg:$0x5] =	wrdreg s30;
	v0 =	vimm.f32 $0.0e+00;
	v2 =	vimm.f32 $1.000000000e+00;
	v1 =	vsel vm15, $0x2700, v1  }
.LBB2_18:
0x16: {  	s0 =	rddreg [dreg:$0x5];
	s3 =	simm.s32 $0x80  }
0x17: {  	s10 =	simm.s32 $0x400;
	s11 =	simm.s32 $0xD800;
	s31 =	simm.s32 $0x5  }
0x18: {  	[spmem:s0] =	stream.strided.scatter [tilespmem:s11], [sflag:$0x5], $0x480, s10, s3, $0x38;
	[tilespmem:$0xE590] =	vst v63  }
0x19: {  	_ =	swait.ge [sflag:s31], $0x480  }
0x1a: {  	[sflag:s31] =	ssyncset.done $0x0  }
0x1b: {  	[sflag:s31] =	ssyncadd.s32 $0xFFFFFB80  }
0x1c: {  	[bflag:$0x0] =	sbarrier.arrive $0xFFFF  }
.LBB2_22:
0x1d: {  	s29 =	sadd.s32 $0x1, s29  }
0x1e: {  	p1 =	sne.s32 s29, s25  }
.Ltmp1:
0x1f: {  	_ = 	snop;
	(pc) =	sbr.rel @!p1 .LBB2_23-.Ltmp1, $1  }
0x20: {  	_ =	sdelay $0x3  }
.LBB2_1:
0x21: {  	s0 =	simm.s32 $0x0  }
0x22: {  	s10 =	sand.u32 $0x1C00, s12;
	s3 =	sand.u32 $0x70, s0  }
0x23: {  	s3 =	sor.u32 s3, s10  }
0x24: {  	[tilespmem:s3+$0x8000] =	vst v0  }
0x25: {  	[tilespmem:s3+$0x8080] =	vst v0  }
0x26: {  	[tilespmem:s3+$0x8100] =	vst v0  }
0x27: {  	[tilespmem:s3+$0x8180] =	vst v0  }
0x28: {  	[tilespmem:s3+$0x8200] =	vst v0  }
0x29: {  	s31 =	sor.u32 s12, s0;
	[tilespmem:s3+$0x8280] =	vst v0  }
0x2a: {  	s10 =	sor.u32 $0x380, s31;
	[tilespmem:s3+$0x8300] =	vst v0  }
0x2b: {  	[tilespmem:s10+$0x8000] =	vst v0  }
0x2c: {  	[tilespmem:s3+$0xA780] =	vst v0  }
0x2d: {  	[tilespmem:s3+$0xA400] =	vst v0  }
0x2e: {  	[tilespmem:s3+$0xA480] =	vst v0  }
0x2f: {  	[tilespmem:s3+$0xA500] =	vst v0  }
0x30: {  	s10 =	simm.s32 $0x0;
	[tilespmem:s3+$0xA580] =	vst v0  }
.LBB2_2:
0x31: {  	s0 =	sadd.s32 $0x10, s0;
	[tilespmem:s3+$0xA600] =	vst v0;
	s10 =	sadd.s32 $0x80, s10  }
0x32: {  	s11 =	sand.u32 $0x70, s0;
	s14 =	sand.u32 $0x1C00, s10;
	p1 =	slt.u32 s0, $0x3F0;
	[tilespmem:s3+$0xA680] =	vst v0  }
0x33: {  	[tilespmem:s3+$0xA700] =	vst v0;
	s3 =	sor.u32 s11, s14  }
0x34: {  	[tilespmem:s3+$0x8000] =	vst v0  }
0x35: {  	[tilespmem:s3+$0x8080] =	vst v0  }
0x36: {  	[tilespmem:s3+$0x8100] =	vst v0  }
0x37: {  	[tilespmem:s3+$0x8180] =	vst v0  }
0x38: {  	[tilespmem:s3+$0x8200] =	vst v0  }
0x39: {  	s11 =	sor.u32 s10, s0;
	[tilespmem:s3+$0x8280] =	vst v0  }
0x3a: {  	s11 =	sor.u32 $0x380, s11;
	[tilespmem:s3+$0x8300] =	vst v0  }
0x3b: {  	[tilespmem:s11+$0x8000] =	vst v0  }
.Ltmp2:
0x3c: {  	[tilespmem:s3+$0xA780] =	vst v0;
	(pc) =	sbr.rel @p1 .LBB2_2-.Ltmp2, $4  }
0x3d: {  	[tilespmem:s3+$0xA400] =	vst v0  }
0x3e: {  	[tilespmem:s3+$0xA480] =	vst v0  }
0x3f: {  	[tilespmem:s3+$0xA500] =	vst v0  }
0x40: {  	[tilespmem:s3+$0xA580] =	vst v0  }
0x41: {  	[tilespmem:s3+$0xA600] =	vst v0  }
0x42: {  	[tilespmem:s3+$0xA680] =	vst v0  }
0x43: {  	[tilespmem:s3+$0xA700] =	vst v0;
	s0 =	simm.s32 $0x200;
	s3 =	simm.s32 $0x0  }
.LBB2_4:
0x44: {  	p1 =	sne.s32 s0, $0x3E00;
	[tilespmem:s3+$0xC800] =	vst v0;
	s3 =	smov.u32 s0;
	s0 =	sadd.s32 $0x200, s0  }
.Ltmp3:
0x45: {  	(pc) =	sbr.rel @p1 .LBB2_4-.Ltmp3, $2  }
0x46: {  	_ =	sdelay $0x2  }
0x47: {  	s3 =	sshra.s32 s3, $0x2  }
0x48: {  	[tilespmem:s3+$0xC800] =	vst v0;
	s30 =	simm.s32 $0x0  }
0x49: {  	[tilespmem:s30], [sflag:$0x1] =	stream.linear.gather [hbm4b:s7+s30], $0x2000, $0x38;
	[tilespmem:$0xE590] =	vst v63  }
0x4a: {  	s31 =	simm.s32 $0x0  }
0x4b: {  	[tilespmem:s13], [sflag:$0x2] =	stream.linear.gather [hbm4b:s8+s30], $0x2000, $0x38;
	[tilespmem:$0xE590] =	vst v63  }
.LBB2_6:
0x4c: {  	s0 =	sshll.u32 s31, $0x5  }
0x4d: {  	s3 =	sadd.s32 s0, s6  }
0x4e: {  	s3 =	sshll.u32 s3, $0x9  }
0x4f: {  	s3 =	sadd.s32 s5, s3  }
0x50: {  	s3 =	sadd.s32 $0x2000, s3  }
0x51: {  	s3 =	sshrl.u32 s3, $0x3  }
0x52: {  	s10 =	sadd.s32 s1, s3  }
0x53: {  	[tilespmem:s15], [sflag:$0x3] =	stream.linear.gather [hbm4b:s10+s30], $0x2000, $0x38;
	[tilespmem:$0xE590] =	vst v63  }
0x54: {  	s3 =	sadd.s32 s2, s3  }
0x55: {  	[tilespmem:s16], [sflag:$0x4] =	stream.linear.gather [hbm4b:s3+s30], $0x2000, $0x38;
	[tilespmem:$0xE590] =	vst v63  }
0x56: {  	_ =	swait.ge [sflag:s17], $0x2000  }
0x57: {  	[sflag:s17] =	ssyncset.done $0x0  }
0x58: {  	[sflag:s17] =	ssyncadd.s32 $0xFFFFE000  }
0x59: {  	_ =	swait.ge [sflag:s18], $0x2000  }
0x5a: {  	s24 =	simm.s32 $0x0;
	[sflag:s18] =	ssyncset.done $0x0  }
0x5b: {  	s26 =	simm.s32 $0x0;
	s3 =	simm.s32 $0x0;
	[sflag:s18] =	ssyncadd.s32 $0xFFFFE000  }
.LBB2_7:
0x5c: {  	s10 =	sshll.u32 s24, $0x2;
	s11 =	sand.u32 $0x7, s3  }
0x5d: {  	s10 =	sand.u32 $0xFFFFC000, s10;
	s11 =	sshll.u32 s11, $0x9  }
0x5e: {  	s10 =	sor.u32 s11, s10  }
0x5f: {  	s10 =	sshrl.u32 s10, $0x2  }
0x60: {  	s23 =	sadd.s32 $0x2070, s10  }
0x61: {  	v8 =	vmov s23  }
0x62: {  	s10 =	sor.u32 $0x40, s10  }
0x63: {  	v9 =	vmov s10;
	_ =	sdelay $0x1  }
0x64: {  	s28 =	simm.s32 $0x0  }
0x65: {  	v21 =	vld.idx.msk [tilespmem:v8+s28+$0x0 ss:$0x1], $0xffff  }
0x66: {  	v20 =	vld.idx.msk [tilespmem:v8+s28+$0xFFFFFF90 ss:$0x1], $0xffff  }
0x67: {  	v10 =	vld.idx.msk [tilespmem:v9+s28+$0x30 ss:$0x1], $0xffff  }
0x68: {  	v19 =	vld.idx.msk [tilespmem:v8+s28+$0xFFFFFFA0 ss:$0x1], $0xffff  }
0x69: {  	v17 =	vld.idx.msk [tilespmem:v8+s28+$0xFFFFFFB0 ss:$0x1], $0xffff  }
0x6a: {  	v7 =	vld.idx.msk [tilespmem:v8+s28+$0xFFFFFFC0 ss:$0x1], $0xffff  }
0x6b: {  	v5 =	vld.idx.msk [tilespmem:v8+s28+$0xFFFFFFE0 ss:$0x1], $0xffff  }
0x6c: {  	v12 =	vld.idx.msk [tilespmem:v9+s28+$0xFFFFFFD0 ss:$0x1], $0xffff  }
0x6d: {  	v13 =	vld.idx.msk [tilespmem:v9+s28+$0xFFFFFFE0 ss:$0x1], $0xffff  }
0x6e: {  	v14 =	vld.idx.msk [tilespmem:v9+s28+$0xFFFFFFF0 ss:$0x1], $0xffff  }
0x6f: {  	v24 =	vld.idx.msk [tilespmem:v9+s28+$0x10 ss:$0x1], $0xffff  }
0x70: {  	v6 =	vld.idx.msk [tilespmem:v8+s28+$0xFFFFFFD0 ss:$0x1], $0xffff;
	v11 =	vsub.f32 $1.001000050e+00, v21  }
0x71: {  	v16 =	vsub.f32 $1.001000050e+00, v19;
	v22 =	vsub.f32 $1.001000050e+00, v17  }
0x72: {  	v18 =	vld.idx.msk [tilespmem:v9+s28+$0x0 ss:$0x1], $0xffff;
	v23 =	vsub.f32 $1.001000050e+00, v7;
	v26 =	vsub.f32 $1.001000050e+00, v5;
	v10 =	vmul.f32 v11, v10  }
0x73: {  	s14 =	simm.s32 $0x400;
	v11 =	vld.idx.msk [tilespmem:v9+s28+$0xFFFFFFC0 ss:$0x1], $0xffff;
	v12 =	vmul.f32 v16, v12;
	v13 =	vmul.f32 v22, v13  }
0x74: {  	v15 =	vsub.f32 $1.001000050e+00, v20;
	v14 =	vmul.f32 v23, v14;
	v23 =	vmul.f32 v26, v24;
	v26 =	vld.idx.msk [tilespmem:v8+s14+$0x0 ss:$0x1], $0xffff  }
0x75: {  	v25 =	vsub.f32 $1.001000050e+00, v6;
	v10 =	vadd.f32 $4.000000000e+00, v10  }
0x76: {  	v12 =	vadd.f32 $4.000000000e+00, v12;
	v13 =	vadd.f32 $4.000000000e+00, v13  }
0x77: {  	v29 =	vld.idx.msk [tilespmem:v9+s14+$0x30 ss:$0x1], $0xffff;
	v18 =	vmul.f32 v25, v18;
	v14 =	vadd.f32 $4.000000000e+00, v14;
	v10 =	vmul.f32 $1.280000000e+02, v10  }
0x78: {  	v12 =	vmul.f32 $1.280000000e+02, v12;
	v13 =	vmul.f32 $1.280000000e+02, v13  }
0x79: {  	v14 =	vmul.f32 $1.280000000e+02, v14;
	v11 =	vmul.f32 v15, v11;
	v35 =	vsub.f32 $1.001000050e+00, v26  }
0x7a: {  	v4 =	vld.idx.msk [tilespmem:v8+s28+$0xFFFFFFF0 ss:$0x1], $0xffff;
	v10 =	vmax.f32 v10, $0.0e+00;
	v12 =	vmax.f32 v12, $0.0e+00;
	v13 =	vmax.f32 v13, $0.0e+00  }
0x7b: {  	v14 =	vmax.f32 v14, $0.0e+00;
	v10 =	vmin.f32 v10, $1.023000000e+03;
	v11 =	vadd.f32 $4.000000000e+00, v11  }
0x7c: {  	v15 =	vld.idx.msk [tilespmem:v9+s28+$0x20 ss:$0x1], $0xffff;
	v12 =	vmin.f32 v12, $1.023000000e+03;
	v13 =	vmin.f32 v13, $1.023000000e+03;
	v29 =	vmul.f32 v35, v29  }
0x7d: {  	v14 =	vmin.f32 v14, $1.023000000e+03;
	v10 =	vtrunc.f32 v10;
	v12 =	vtrunc.f32 v12  }
0x7e: {  	v13 =	vtrunc.f32 v13;
	v14 =	vtrunc.f32 v14  }
0x7f: {  	v16 =	vsub.f32 $1.001000050e+00, v4;
	v10 =	vcvt.f32.s32 v10;
	v11 =	vmul.f32 $1.280000000e+02, v11  }
0x80: {  	v12 =	vcvt.f32.s32 v12;
	v25 =	vcvt.f32.s32 v13  }
0x81: {  	v14 =	vcvt.f32.s32 v14;
	v29 =	vadd.f32 $4.000000000e+00, v29;
	v15 =	vmul.f32 v16, v15  }
0x82: {  	v16 =	vadd.f32 $4.000000000e+00, v18;
	v18 =	vadd.f32 $4.000000000e+00, v23;
	v22 =	vshll.u32 v10, $0x3  }
0x83: {  	v10 =	vand.u32 $0x7F, v10;
	v11 =	vmax.f32 v11, $0.0e+00;
	v28 =	vshll.u32 v25, $0x3  }
0x84: {  	v30 =	vshll.u32 v14, $0x3;
	v38 =	vand.u32 $0x7F, v12;
	v25 =	vand.u32 $0x7F, v25  }
0x85: {  	v54 =	vand.u32 $0x7F, v14;
	v29 =	vmul.f32 $1.280000000e+02, v29;
	v15 =	vadd.f32 $4.000000000e+00, v15  }
0x86: {  	v13 =	vld.idx.msk [tilespmem:v8+s14+$0xFFFFFFB0 ss:$0x1], $0xffff;
	v16 =	vmul.f32 $1.280000000e+02, v16;
	v18 =	vmul.f32 $1.280000000e+02, v18;
	v11 =	vmin.f32 v11, $1.023000000e+03  }
0x87: {  	v22 =	vand.u32 $0xFFFFFC00, v22;
	v28 =	vand.u32 $0xFFFFFC00, v28;
	v30 =	vand.u32 $0xFFFFFC00, v30  }
0x88: {  	v11 =	vtrunc.f32 v11;
	v10 =	vor.u32 v10, v22;
	v25 =	vor.u32 v25, v28  }
0x89: {  	v30 =	vor.u32 v54, v30;
	v29 =	vmax.f32 v29, $0.0e+00;
	v15 =	vmul.f32 $1.280000000e+02, v15  }
0x8a: {  	v14 =	vld.idx.msk [tilespmem:v8+s14+$0xFFFFFFF0 ss:$0x1], $0xffff;
	v16 =	vmax.f32 v16, $0.0e+00;
	v18 =	vmax.f32 v18, $0.0e+00;
	v22 =	vcvt.f32.s32 v11  }
0x8b: {  	v56 =	vld.idx.msk [tilespmem:v9+s14+$0xFFFFFFE0 ss:$0x1], $0xffff;
	v24 =	vadd.s32 v1, v10;
	v11 =	vshll.u32 v12, $0x3;
	v41 =	vsub.f32 $1.001000050e+00, v13  }
0x8c: {  	v29 =	vmin.f32 v29, $1.023000000e+03;
	v16 =	vmin.f32 v16, $1.023000000e+03;
	v18 =	vmin.f32 v18, $1.023000000e+03  }
0x8d: {  	v34 =	vand.u32 $0xFFFFFC00, v11;
	v29 =	vtrunc.f32 v29;
	v15 =	vmax.f32 v15, $0.0e+00  }
0x8e: {  	v16 =	vtrunc.f32 v16;
	v18 =	vtrunc.f32 v18;
	v10 =	vshll.u32 v22, $0x3  }
0x8f: {  	v22 =	vand.u32 $0x7F, v22;
	v55 =	vor.u32 v38, v34;
	v44 =	vsub.f32 $1.001000050e+00, v14  }
0x90: {  	v12 =	vld.idx.msk [tilespmem:v8+s14+$0xFFFFFFE0 ss:$0x1], $0xffff;
	v34 =	vmul.f32 v41, v56;
	v29 =	vcvt.f32.s32 v29;
	v15 =	vmin.f32 v15, $1.023000000e+03  }
0x91: {  	v42 =	vld.idx.msk [tilespmem:v9+s14+$0xFFFFFFD0 ss:$0x1], $0xffff;
	v27 =	vcvt.f32.s32 v16;
	v18 =	vcvt.f32.s32 v18;
	v33 =	vand.u32 $0xFFFFFC00, v10  }
0x92: {  	v59 =	vld.idx.msk [tilespmem:v9+s14+$0x10 ss:$0x1], $0xffff;
	v23 =	vtrunc.f32 v15;
	v22 =	vor.u32 v22, v33;
	v33 =	vadd.s32 v1, v55  }
0x93: {  	v28 =	vld.idx.msk [tilespmem:v9+s14+$0xFFFFFFF0 ss:$0x1], $0xffff;
	v34 =	vadd.f32 $4.000000000e+00, v34;
	v61 =	vshll.u32 v29, $0x3;
	v29 =	vand.u32 $0x7F, v29  }
0x94: {  	v16 =	vld.idx.msk [tilespmem:v8+s14+$0xFFFFFFA0 ss:$0x1], $0xffff;
	v23 =	vcvt.f32.s32 v23;
	v31 =	vshll.u32 v27, $0x3;
	v32 =	vshll.u32 v18, $0x3  }
0x95: {  	v10 =	vld.idx.msk [tilespmem:v8+s14+$0xFFFFFFC0 ss:$0x1], $0xffff;
	v27 =	vand.u32 $0x7F, v27;
	v18 =	vand.u32 $0x7F, v18;
	v58 =	vsub.f32 $1.001000050e+00, v12  }
0x96: {  	v15 =	vld.idx.msk [tilespmem:v8+s14+$0xFFFFFF90 ss:$0x1], $0xffff;
	v22 =	vadd.s32 v1, v22;
	v38 =	vand.u32 $0xFFFFFC00, v61;
	v31 =	vand.u32 $0xFFFFFC00, v31  }
0x97: {  	[tilespmem:v24+s19+$0x0] =	vst.idx.add.f32.msk $0xffff, v2;
	v32 =	vand.u32 $0xFFFFFC00, v32;
	v29 =	vor.u32 v29, v38;
	v24 =	vmul.f32 $1.280000000e+02, v34  }
0x98: {  	v39 =	vld.idx.msk [tilespmem:v9+s14+$0xFFFFFFC0 ss:$0x1], $0xffff;
	v11 =	vshll.u32 v23, $0x3;
	v23 =	vand.u32 $0x7F, v23;
	v32 =	vor.u32 v18, v32  }
0x99: {  	v29 =	vadd.s32 v1, v29;
	v36 =	vand.u32 $0xFFFFFC00, v11;
	v11 =	vld.idx.msk [tilespmem:v8+s14+$0xFFFFFFD0 ss:$0x1], $0xffff;
	v40 =	vsub.f32 $1.001000050e+00, v16  }
0x9a: {  	v35 =	vmul.f32 v58, v59;
	v43 =	vsub.f32 $1.001000050e+00, v10;
	v18 =	vor.u32 v23, v36;
	v23 =	vld.idx.msk [tilespmem:v9+s14+$0x20 ss:$0x1], $0xffff  }
0x9b: {  	v31 =	vor.u32 v27, v31;
	v37 =	vsub.f32 $1.001000050e+00, v15;
	v60 =	vmul.f32 v40, v42  }
0x9c: {  	v27 =	vld.idx.msk [tilespmem:v9+s14+$0x0 ss:$0x1], $0xffff;
	v24 =	vmax.f32 v24, $0.0e+00;
	v35 =	vadd.f32 $4.000000000e+00, v35;
	v28 =	vmul.f32 v43, v28  }
0x9d: {  	v24 =	vmin.f32 v24, $1.023000000e+03;
	v37 =	vmul.f32 v37, v39;
	v36 =	vadd.f32 $4.000000000e+00, v60  }
0x9e: {  	v62 =	vmul.f32 $1.280000000e+02, v35;
	v28 =	vadd.f32 $4.000000000e+00, v28;
	[tilespmem:v29+s19+$0x0] =	vst.idx.add.f32.msk $0xffff, v2;
	v57 =	vsub.f32 $1.001000050e+00, v11  }
0x9f: {  	v37 =	vadd.f32 $4.000000000e+00, v37;
	[tilespmem:s14+$0xCB80] =	vst.add.f32.msk $0xffff, v26;
	v26 =	vtrunc.f32 v24;
	v23 =	vmul.f32 v44, v23  }
0xa0: {  	v25 =	vadd.s32 v1, v25;
	v36 =	vmul.f32 $1.280000000e+02, v36;
	v28 =	vmul.f32 $1.280000000e+02, v28  }
0xa1: {  	[tilespmem:v22+s19+$0x0] =	vst.idx.add.f32.msk $0xffff, v2;
	v27 =	vmul.f32 v57, v27;
	v37 =	vmul.f32 $1.280000000e+02, v37;
	v23 =	vadd.f32 $4.000000000e+00, v23  }
0xa2: {  	[tilespmem:s28+$0xC800] =	vst.add.f32.msk $0xffff, v20;
	v22 =	vmax.f32 v36, $0.0e+00;
	v20 =	vmax.f32 v28, $0.0e+00;
	v28 =	vmax.f32 v62, $0.0e+00  }
0xa3: {  	[tilespmem:s28+$0xCB80] =	vst.add.f32.msk $0xffff, v21;
	v27 =	vadd.f32 $4.000000000e+00, v27;
	v21 =	vmax.f32 v37, $0.0e+00;
	v22 =	vmin.f32 v22, $1.023000000e+03  }
0xa4: {  	[tilespmem:v33+s19+$0x0] =	vst.idx.add.f32.msk $0xffff, v2;
	v20 =	vmin.f32 v20, $1.023000000e+03;
	v23 =	vmul.f32 $1.280000000e+02, v23;
	v21 =	vmin.f32 v21, $1.023000000e+03  }
0xa5: {  	[tilespmem:s28+$0xC880] =	vst.add.f32.msk $0xffff, v19;
	v27 =	vmul.f32 $1.280000000e+02, v27;
	v19 =	vtrunc.f32 v21;
	v21 =	vmin.f32 v28, $1.023000000e+03  }
0xa6: {  	v28 =	vtrunc.f32 v22;
	v22 =	vadd.s32 v1, v31;
	v23 =	vmax.f32 v23, $0.0e+00  }
0xa7: {  	v24 =	vtrunc.f32 v21;
	v21 =	vadd.s32 v1, v32;
	v27 =	vmax.f32 v27, $0.0e+00  }
0xa8: {  	[tilespmem:v25+s19+$0x0] =	vst.idx.add.f32.msk $0xffff, v2;
	v29 =	vmin.f32 v23, $1.023000000e+03;
	v63 =	vmin.f32 v27, $1.023000000e+03;
	v27 =	vtrunc.f32 v20  }
0xa9: {  	s22 =	simm.s32 $0x8;
	s23 =	simm.s32 $0x2000;
	[tilespmem:s28+$0xC900] =	vst.add.f32.msk $0xffff, v17;
	v23 =	vadd.s32 v1, v30;
	v20 =	vtrunc.f32 v29;
	v25 =	vtrunc.f32 v63  }
.LBB2_8:
0xaa: {  	s10 =	sshra.s32 s23, $0x2;
	v29 =	vcvt.f32.s32 v19;
	v28 =	vcvt.f32.s32 v28;
	v19 =	vadd.s32 v1, v18  }
0xab: {  	s22 =	sadd.s32 $0x8, s22;
	v18 =	vcvt.f32.s32 v26;
	v26 =	vcvt.f32.s32 v27;
	v17 =	vld.idx.msk [tilespmem:v8+s10+$0x0 ss:$0x1], $0xffff  }
0xac: {  	v25 =	vcvt.f32.s32 v25;
	v31 =	vcvt.f32.s32 v24;
	p1 =	slt.u32 s22, $0x18;
	v27 =	vld.idx.msk [tilespmem:v8+s10+$0xFFFFFF90 ss:$0x1], $0xffff;
	v30 =	vshll.u32 v29, $0x3  }
0xad: {  	v34 =	vcvt.f32.s32 v20;
	v24 =	vshll.u32 v28, $0x3;
	v33 =	vshll.u32 v18, $0x3;
	v32 =	vld.idx.msk [tilespmem:v9+s10+$0x30 ss:$0x1], $0xffff  }
0xae: {  	v36 =	vshll.u32 v26, $0x3;
	v37 =	vshll.u32 v25, $0x3;
	v38 =	vshll.u32 v31, $0x3;
	v35 =	vld.idx.msk [tilespmem:v8+s10+$0xFFFFFFA0 ss:$0x1], $0xffff  }
0xaf: {  	v30 =	vand.u32 $0xFFFFFC00, v30;
	v39 =	vand.u32 $0xFFFFFC00, v24;
	v24 =	vshll.u32 v34, $0x3;
	v20 =	vld.idx.msk [tilespmem:v8+s10+$0xFFFFFFB0 ss:$0x1], $0xffff  }
0xb0: {  	v33 =	vand.u32 $0xFFFFFC00, v33;
	v36 =	vand.u32 $0xFFFFFC00, v36;
	v37 =	vand.u32 $0xFFFFFC00, v37;
	v40 =	vld.idx.msk [tilespmem:v8+s10+$0xFFFFFFC0 ss:$0x1], $0xffff  }
0xb1: {  	v38 =	vand.u32 $0xFFFFFC00, v38;
	v43 =	vand.u32 $0xFFFFFC00, v24;
	v42 =	vsub.f32 $1.001000050e+00, v17;
	v41 =	vld.idx.msk [tilespmem:v8+s10+$0xFFFFFFD0 ss:$0x1], $0xffff  }
0xb2: {  	v29 =	vand.u32 $0x7F, v29;
	v28 =	vand.u32 $0x7F, v28;
	v44 =	vsub.f32 $1.001000050e+00, v27;
	v45 =	vld.idx.msk [tilespmem:v8+s10+$0xFFFFFFE0 ss:$0x1], $0xffff  }
0xb3: {  	v18 =	vand.u32 $0x7F, v18;
	v26 =	vand.u32 $0x7F, v26;
	v32 =	vmul.f32 v42, v32;
	v24 =	vld.idx.msk [tilespmem:v8+s10+$0xFFFFFFF0 ss:$0x1], $0xffff  }
0xb4: {  	v25 =	vand.u32 $0x7F, v25;
	v31 =	vand.u32 $0x7F, v31;
	v46 =	vsub.f32 $1.001000050e+00, v35;
	v42 =	vld.idx.msk [tilespmem:v9+s10+$0xFFFFFFC0 ss:$0x1], $0xffff  }
0xb5: {  	v34 =	vand.u32 $0x7F, v34;
	v48 =	vsub.f32 $1.001000050e+00, v20;
	v32 =	vadd.f32 $4.000000000e+00, v32;
	v47 =	vld.idx.msk [tilespmem:v9+s10+$0xFFFFFFD0 ss:$0x1], $0xffff  }
0xb6: {  	v29 =	vor.u32 v29, v30;
	v28 =	vor.u32 v28, v39;
	v50 =	vsub.f32 $1.001000050e+00, v40;
	v49 =	vld.idx.msk [tilespmem:v9+s10+$0xFFFFFFE0 ss:$0x1], $0xffff  }
0xb7: {  	v33 =	vor.u32 v18, v33;
	v39 =	vsub.f32 $1.001000050e+00, v41;
	v32 =	vmul.f32 $1.280000000e+02, v32;
	v30 =	vld.idx.msk [tilespmem:v9+s10+$0xFFFFFFF0 ss:$0x1], $0xffff  }
0xb8: {  	v36 =	vor.u32 v26, v36;
	v37 =	vor.u32 v25, v37;
	v52 =	vsub.f32 $1.001000050e+00, v45;
	v51 =	vld.idx.msk [tilespmem:v9+s10+$0x0 ss:$0x1], $0xffff  }
0xb9: {  	v31 =	vor.u32 v31, v38;
	v26 =	vsub.f32 $1.001000050e+00, v24;
	v18 =	vmax.f32 v32, $0.0e+00;
	v25 =	vld.idx.msk [tilespmem:v9+s10+$0x10 ss:$0x1], $0xffff  }
0xba: {  	v32 =	vmul.f32 v44, v42;
	v42 =	vmin.f32 v18, $1.023000000e+03;
	v18 =	vor.u32 v34, v43;
	v38 =	vld.idx.msk [tilespmem:v9+s10+$0x20 ss:$0x1], $0xffff  }
0xbb: {  	v29 =	vadd.s32 v1, v29;
	v34 =	vmul.f32 v46, v47;
	v42 =	vtrunc.f32 v42;
	[tilespmem:v23+s19+$0x0] =	vst.idx.add.f32.msk $0xffff, v2  }
0xbc: {  	v23 =	vadd.f32 $4.000000000e+00, v32;
	v32 =	vmul.f32 v48, v49;
	v42 =	vcvt.f32.s32 v42;
	[tilespmem:s28+$0xC980] =	vst.add.f32.msk $0xffff, v7;
	v7 =	vmovc v10;
	v10 =	vmovc v40  }
0xbd: {  	v28 =	vadd.s32 v1, v28;
	v34 =	vadd.f32 $4.000000000e+00, v34;
	v30 =	vmul.f32 v50, v30;
	[tilespmem:v22+s19+$0x0] =	vst.idx.add.f32.msk $0xffff, v2  }
0xbe: {  	v22 =	vadd.f32 $4.000000000e+00, v32;
	v32 =	vmul.f32 v39, v51;
	v39 =	vshll.u32 v42, $0x3;
	[tilespmem:s28+$0xCA00] =	vst.add.f32.msk $0xffff, v6;
	v6 =	vmovc v11;
	v11 =	vmovc v41  }
0xbf: {  	v40 =	vand.u32 $0x7F, v42;
	v25 =	vmul.f32 v52, v25;
	v39 =	vand.u32 $0xFFFFFC00, v39;
	[tilespmem:v21+s19+$0x0] =	vst.idx.add.f32.msk $0xffff, v2  }
0xc0: {  	v21 =	vadd.f32 $4.000000000e+00, v30;
	v26 =	vmul.f32 v26, v38;
	v30 =	vor.u32 v40, v39;
	[tilespmem:v29+s19+$0x0] =	vst.idx.add.f32.msk $0xffff, v2  }
0xc1: {  	v29 =	vadd.f32 $4.000000000e+00, v32;
	v25 =	vadd.f32 $4.000000000e+00, v25;
	v30 =	vadd.s32 v1, v30;
	[tilespmem:s14+$0xC800] =	vst.add.f32.msk $0xffff, v15;
	v15 =	vmovc v27  }
0xc2: {  	v23 =	vmul.f32 $1.280000000e+02, v23;
	v27 =	vmul.f32 $1.280000000e+02, v34;
	v26 =	vadd.f32 $4.000000000e+00, v26;
	[tilespmem:v28+s19+$0x0] =	vst.idx.add.f32.msk $0xffff, v2  }
0xc3: {  	v22 =	vmul.f32 $1.280000000e+02, v22;
	v21 =	vmul.f32 $1.280000000e+02, v21;
	v28 =	vadd.s32 v1, v33;
	[tilespmem:s14+$0xC880] =	vst.add.f32.msk $0xffff, v16;
	v16 =	vmovc v35  }
0xc4: {  	v23 =	vmax.f32 v23, $0.0e+00;
	v29 =	vmul.f32 $1.280000000e+02, v29;
	v25 =	vmul.f32 $1.280000000e+02, v25;
	[tilespmem:s28+$0xCA80] =	vst.add.f32.msk $0xffff, v5;
	v5 =	vmovc v12;
	v12 =	vmovc v45  }
0xc5: {  	v22 =	vmax.f32 v22, $0.0e+00;
	v27 =	vmax.f32 v27, $0.0e+00;
	v26 =	vmul.f32 $1.280000000e+02, v26;
	[tilespmem:v19+s19+$0x0] =	vst.idx.add.f32.msk $0xffff, v2  }
0xc6: {  	v25 =	vmax.f32 v25, $0.0e+00;
	v19 =	vmax.f32 v21, $0.0e+00;
	v21 =	vmax.f32 v29, $0.0e+00;
	[tilespmem:v30+s19+$0x0] =	vst.idx.add.f32.msk $0xffff, v2  }
0xc7: {  	v23 =	vmin.f32 v23, $1.023000000e+03;
	v27 =	vmin.f32 v27, $1.023000000e+03;
	v26 =	vmax.f32 v26, $0.0e+00;
	[tilespmem:s10+$0xCB80] =	vst.add.f32.msk $0xffff, v17  }
.Ltmp4:
0xc8: {  	v21 =	vmin.f32 v21, $1.023000000e+03;
	v17 =	vmin.f32 v22, $1.023000000e+03;
	v22 =	vmin.f32 v19, $1.023000000e+03;
	[tilespmem:v28+s19+$0x0] =	vst.idx.add.f32.msk $0xffff, v2;
	(pc) =	sbr.rel @p1 .LBB2_8-.Ltmp4, $4  }
0xc9: {  	v29 =	vmin.f32 v25, $1.023000000e+03;
	v30 =	vmin.f32 v26, $1.023000000e+03;
	v19 =	vtrunc.f32 v23;
	[tilespmem:s14+$0xC900] =	vst.add.f32.msk $0xffff, v13;
	v13 =	vmovc v20  }
0xca: {  	v23 =	vadd.s32 v1, v36;
	v28 =	vtrunc.f32 v27;
	v26 =	vtrunc.f32 v17;
	[tilespmem:s28+$0xCB00] =	vst.add.f32.msk $0xffff, v4;
	v4 =	vmovc v14;
	v14 =	vmovc v24;
	s28 =	smov.u32 s14;
	s14 =	smov.u32 s10  }
0xcb: {  	v25 =	vtrunc.f32 v21;
	v27 =	vtrunc.f32 v22;
	v22 =	vadd.s32 v1, v37  }
0xcc: {  	s23 =	sadd.s32 $0x1000, s23;
	v21 =	vadd.s32 v1, v31;
	v20 =	vtrunc.f32 v30;
	v24 =	vtrunc.f32 v29  }
0xcd: {  	_ =	sdelay $0x1  }
0xce: {  	v8 =	vcvt.f32.s32 v19;
	v9 =	vcvt.f32.s32 v28  }
0xcf: {  	v49 =	vcvt.f32.s32 v26;
	v52 =	vcvt.f32.s32 v27;
	v18 =	vadd.s32 v1, v18  }
0xd0: {  	[tilespmem:v23+s19+$0x0] =	vst.idx.add.f32.msk $0xffff, v2;
	v17 =	vshll.u32 v8, $0x3;
	v8 =	vand.u32 $0x7F, v8;
	v47 =	vshll.u32 v9, $0x3  }
0xd1: {  	[tilespmem:v22+s19+$0x0] =	vst.idx.add.f32.msk $0xffff, v2;
	v9 =	vand.u32 $0x7F, v9;
	v55 =	vshll.u32 v52, $0x3;
	v17 =	vand.u32 $0xFFFFFC00, v17  }
0xd2: {  	[tilespmem:s28+$0xCA00] =	vst.add.f32.msk $0xffff, v6;
	v6 =	vand.u32 $0x7F, v52;
	v48 =	vand.u32 $0xFFFFFC00, v47;
	v8 =	vor.u32 v8, v17  }
0xd3: {  	[tilespmem:v21+s19+$0x0] =	vst.idx.add.f32.msk $0xffff, v2;
	v56 =	vand.u32 $0xFFFFFC00, v55;
	v9 =	vor.u32 v9, v48;
	v8 =	vadd.s32 v1, v8  }
0xd4: {  	[tilespmem:s28+$0xC980] =	vst.add.f32.msk $0xffff, v7;
	v6 =	vor.u32 v6, v56;
	v50 =	vadd.s32 v1, v9  }
0xd5: {  	v57 =	vcvt.f32.s32 v24;
	[tilespmem:s28+$0xCA80] =	vst.add.f32.msk $0xffff, v5;
	v51 =	vshll.u32 v49, $0x3;
	v5 =	vadd.s32 v1, v6  }
0xd6: {  	v53 =	vand.u32 $0x7F, v49;
	v9 =	vand.u32 $0xFFFFFC00, v51;
	[tilespmem:v18+s19+$0x0] =	vst.idx.add.f32.msk $0xffff, v2  }
0xd7: {  	v54 =	vcvt.f32.s32 v25;
	v61 =	vshll.u32 v57, $0x3;
	v9 =	vor.u32 v53, v9;
	[tilespmem:s28+$0xCB00] =	vst.add.f32.msk $0xffff, v4  }
0xd8: {  	v7 =	vand.u32 $0x7F, v57;
	v62 =	vand.u32 $0xFFFFFC00, v61;
	v9 =	vadd.s32 v1, v9;
	[tilespmem:v8+s19+$0x0] =	vst.idx.add.f32.msk $0xffff, v2  }
0xd9: {  	v7 =	vor.u32 v7, v62;
	[tilespmem:v50+s19+$0x0] =	vst.idx.add.f32.msk $0xffff, v2  }
0xda: {  	v60 =	vcvt.f32.s32 v20;
	v58 =	vshll.u32 v54, $0x3;
	v4 =	vadd.s32 v1, v7;
	[tilespmem:v5+s19+$0x0] =	vst.idx.add.f32.msk $0xffff, v2  }
0xdb: {  	v59 =	vand.u32 $0xFFFFFC00, v58;
	v8 =	vand.u32 $0x7F, v54;
	[tilespmem:s14+$0xC800] =	vst.add.f32.msk $0xffff, v15  }
0xdc: {  	v63 =	vshll.u32 v60, $0x3;
	[tilespmem:s14+$0xC880] =	vst.add.f32.msk $0xffff, v16;
	v8 =	vor.u32 v8, v59  }
0xdd: {  	v6 =	vand.u32 $0x7F, v60;
	[tilespmem:v9+s19+$0x0] =	vst.idx.add.f32.msk $0xffff, v2;
	v8 =	vadd.s32 v1, v8;
	v9 =	vand.u32 $0xFFFFFC00, v63  }
0xde: {  	[tilespmem:s14+$0xC980] =	vst.add.f32.msk $0xffff, v10;
	v6 =	vor.u32 v6, v9  }
0xdf: {  	s26 =	sadd.s32 $0x1, s26;
	[tilespmem:v4+s19+$0x0] =	vst.idx.add.f32.msk $0xffff, v2;
	v5 =	vadd.s32 v1, v6  }
0xe0: {  	p1 =	sne.s32 s26, $0x10;
	[tilespmem:s14+$0xCA80] =	vst.add.f32.msk $0xffff, v12  }
.Ltmp5:
0xe1: {  	[tilespmem:s14+$0xC900] =	vst.add.f32.msk $0xffff, v13;
	(pc) =	sbr.rel @p1 .LBB2_7-.Ltmp5, $4  }
0xe2: {  	[tilespmem:v8+s19+$0x0] =	vst.idx.add.f32.msk $0xffff, v2  }
0xe3: {  	[tilespmem:s14+$0xCA00] =	vst.add.f32.msk $0xffff, v11  }
0xe4: {  	[tilespmem:v5+s19+$0x0] =	vst.idx.add.f32.msk $0xffff, v2  }
0xe5: {  	s24 =	sadd.s32 $0x200, s24;
	s3 =	sadd.s32 $0x1, s3;
	[tilespmem:s14+$0xCB00] =	vst.add.f32.msk $0xffff, v14  }
0xe6: {  	p1 =	seq.s32 s31, $0x7  }
0xe7: {  	s0 =	sadd.s32 @!p1 s0, s9  }
0xe8: {  	s0 =	sshll.u32 @!p1 s0, $0x9  }
0xe9: {  	s0 =	sadd.s32 @!p1 s5, s0  }
0xea: {  	s0 =	sshrl.u32 @!p1 s0, $0x3  }
0xeb: {  	s10 =	simm.s32 @!p1 $0x0;
	s3 =	sadd.s32 @!p1 s1, s0  }
0xec: {  	[tilespmem:s10], [sflag:$0x1] =	stream.linear.gather @!p1 [hbm4b:s3+s10], $0x2000, $0x38;
	[tilespmem:$0xE590] =	vst v63  }
0xed: {  	s0 =	sadd.s32 @!p1 s2, s0;
	s3 =	simm.s32 @!p1 $0x2000  }
0xee: {  	[tilespmem:s3], [sflag:$0x2] =	stream.linear.gather @!p1 [hbm4b:s0+s10], $0x2000, $0x38;
	[tilespmem:$0xE590] =	vst v63  }
0xef: {  	_ =	swait.ge [sflag:s20], $0x2000  }
0xf0: {  	[sflag:s20] =	ssyncset.done $0x0  }
0xf1: {  	[sflag:s20] =	ssyncadd.s32 $0xFFFFE000  }
0xf2: {  	_ =	swait.ge [sflag:s21], $0x2000  }
0xf3: {  	s24 =	simm.s32 $0x0;
	[sflag:s21] =	ssyncset.done $0x0  }
0xf4: {  	s0 =	simm.s32 $0x0;
	s3 =	simm.s32 $0x0;
	[sflag:s21] =	ssyncadd.s32 $0xFFFFE000  }
.LBB2_11:
0xf5: {  	s10 =	sshll.u32 s3, $0x2;
	s11 =	sand.u32 $0x7, s0  }
0xf6: {  	s10 =	sand.u32 $0xFFFFC000, s10;
	s11 =	sshll.u32 s11, $0x9  }
0xf7: {  	s10 =	sor.u32 s11, s10  }
0xf8: {  	s10 =	sshrl.u32 s10, $0x2  }
0xf9: {  	s28 =	sadd.s32 $0x6070, s10  }
0xfa: {  	v8 =	vmov s28  }
0xfb: {  	s10 =	sadd.s32 $0x4040, s10  }
0xfc: {  	v9 =	vmov s10;
	_ =	sdelay $0x1  }
0xfd: {  	s26 =	simm.s32 $0x0  }
0xfe: {  	v21 =	vld.idx.msk [tilespmem:v8+s26+$0x0 ss:$0x1], $0xffff  }
0xff: {  	v20 =	vld.idx.msk [tilespmem:v8+s26+$0xFFFFFF90 ss:$0x1], $0xffff  }
0x100: {  	v10 =	vld.idx.msk [tilespmem:v9+s26+$0x30 ss:$0x1], $0xffff  }
0x101: {  	v19 =	vld.idx.msk [tilespmem:v8+s26+$0xFFFFFFA0 ss:$0x1], $0xffff  }
0x102: {  	v17 =	vld.idx.msk [tilespmem:v8+s26+$0xFFFFFFB0 ss:$0x1], $0xffff  }
0x103: {  	v7 =	vld.idx.msk [tilespmem:v8+s26+$0xFFFFFFC0 ss:$0x1], $0xffff  }
0x104: {  	v5 =	vld.idx.msk [tilespmem:v8+s26+$0xFFFFFFE0 ss:$0x1], $0xffff  }
0x105: {  	v12 =	vld.idx.msk [tilespmem:v9+s26+$0xFFFFFFD0 ss:$0x1], $0xffff  }
0x106: {  	v13 =	vld.idx.msk [tilespmem:v9+s26+$0xFFFFFFE0 ss:$0x1], $0xffff  }
0x107: {  	v14 =	vld.idx.msk [tilespmem:v9+s26+$0xFFFFFFF0 ss:$0x1], $0xffff  }
0x108: {  	v24 =	vld.idx.msk [tilespmem:v9+s26+$0x10 ss:$0x1], $0xffff  }
0x109: {  	v6 =	vld.idx.msk [tilespmem:v8+s26+$0xFFFFFFD0 ss:$0x1], $0xffff;
	v11 =	vsub.f32 $1.001000050e+00, v21  }
0x10a: {  	v16 =	vsub.f32 $1.001000050e+00, v19;
	v22 =	vsub.f32 $1.001000050e+00, v17  }
0x10b: {  	v18 =	vld.idx.msk [tilespmem:v9+s26+$0x0 ss:$0x1], $0xffff;
	v23 =	vsub.f32 $1.001000050e+00, v7;
	v26 =	vsub.f32 $1.001000050e+00, v5;
	v10 =	vmul.f32 v11, v10  }
0x10c: {  	s14 =	simm.s32 $0x400;
	v11 =	vld.idx.msk [tilespmem:v9+s26+$0xFFFFFFC0 ss:$0x1], $0xffff;
	v12 =	vmul.f32 v16, v12;
	v13 =	vmul.f32 v22, v13  }
0x10d: {  	v15 =	vsub.f32 $1.001000050e+00, v20;
	v14 =	vmul.f32 v23, v14;
	v23 =	vmul.f32 v26, v24;
	v26 =	vld.idx.msk [tilespmem:v8+s14+$0x0 ss:$0x1], $0xffff  }
0x10e: {  	v25 =	vsub.f32 $1.001000050e+00, v6;
	v10 =	vadd.f32 $4.000000000e+00, v10  }
0x10f: {  	v12 =	vadd.f32 $4.000000000e+00, v12;
	v13 =	vadd.f32 $4.000000000e+00, v13  }
0x110: {  	v29 =	vld.idx.msk [tilespmem:v9+s14+$0x30 ss:$0x1], $0xffff;
	v18 =	vmul.f32 v25, v18;
	v14 =	vadd.f32 $4.000000000e+00, v14;
	v10 =	vmul.f32 $1.280000000e+02, v10  }
0x111: {  	v12 =	vmul.f32 $1.280000000e+02, v12;
	v13 =	vmul.f32 $1.280000000e+02, v13  }
0x112: {  	v14 =	vmul.f32 $1.280000000e+02, v14;
	v11 =	vmul.f32 v15, v11;
	v35 =	vsub.f32 $1.001000050e+00, v26  }
0x113: {  	v4 =	vld.idx.msk [tilespmem:v8+s26+$0xFFFFFFF0 ss:$0x1], $0xffff;
	v10 =	vmax.f32 v10, $0.0e+00;
	v12 =	vmax.f32 v12, $0.0e+00;
	v13 =	vmax.f32 v13, $0.0e+00  }
0x114: {  	v14 =	vmax.f32 v14, $0.0e+00;
	v10 =	vmin.f32 v10, $1.023000000e+03;
	v11 =	vadd.f32 $4.000000000e+00, v11  }
0x115: {  	v15 =	vld.idx.msk [tilespmem:v9+s26+$0x20 ss:$0x1], $0xffff;
	v12 =	vmin.f32 v12, $1.023000000e+03;
	v13 =	vmin.f32 v13, $1.023000000e+03;
	v29 =	vmul.f32 v35, v29  }
0x116: {  	v14 =	vmin.f32 v14, $1.023000000e+03;
	v10 =	vtrunc.f32 v10;
	v12 =	vtrunc.f32 v12  }
0x117: {  	v13 =	vtrunc.f32 v13;
	v14 =	vtrunc.f32 v14  }
0x118: {  	v16 =	vsub.f32 $1.001000050e+00, v4;
	v10 =	vcvt.f32.s32 v10;
	v11 =	vmul.f32 $1.280000000e+02, v11  }
0x119: {  	v12 =	vcvt.f32.s32 v12;
	v25 =	vcvt.f32.s32 v13  }
0x11a: {  	v14 =	vcvt.f32.s32 v14;
	v29 =	vadd.f32 $4.000000000e+00, v29;
	v15 =	vmul.f32 v16, v15  }
0x11b: {  	v16 =	vadd.f32 $4.000000000e+00, v18;
	v18 =	vadd.f32 $4.000000000e+00, v23;
	v22 =	vshll.u32 v10, $0x3  }
0x11c: {  	v10 =	vand.u32 $0x7F, v10;
	v11 =	vmax.f32 v11, $0.0e+00;
	v28 =	vshll.u32 v25, $0x3  }
0x11d: {  	v30 =	vshll.u32 v14, $0x3;
	v38 =	vand.u32 $0x7F, v12;
	v25 =	vand.u32 $0x7F, v25  }
0x11e: {  	v54 =	vand.u32 $0x7F, v14;
	v29 =	vmul.f32 $1.280000000e+02, v29;
	v15 =	vadd.f32 $4.000000000e+00, v15  }
0x11f: {  	v13 =	vld.idx.msk [tilespmem:v8+s14+$0xFFFFFFB0 ss:$0x1], $0xffff;
	v16 =	vmul.f32 $1.280000000e+02, v16;
	v18 =	vmul.f32 $1.280000000e+02, v18;
	v11 =	vmin.f32 v11, $1.023000000e+03  }
0x120: {  	v22 =	vand.u32 $0xFFFFFC00, v22;
	v28 =	vand.u32 $0xFFFFFC00, v28;
	v30 =	vand.u32 $0xFFFFFC00, v30  }
0x121: {  	v11 =	vtrunc.f32 v11;
	v10 =	vor.u32 v10, v22;
	v25 =	vor.u32 v25, v28  }
0x122: {  	v30 =	vor.u32 v54, v30;
	v29 =	vmax.f32 v29, $0.0e+00;
	v15 =	vmul.f32 $1.280000000e+02, v15  }
0x123: {  	v14 =	vld.idx.msk [tilespmem:v8+s14+$0xFFFFFFF0 ss:$0x1], $0xffff;
	v16 =	vmax.f32 v16, $0.0e+00;
	v18 =	vmax.f32 v18, $0.0e+00;
	v22 =	vcvt.f32.s32 v11  }
0x124: {  	v56 =	vld.idx.msk [tilespmem:v9+s14+$0xFFFFFFE0 ss:$0x1], $0xffff;
	v24 =	vadd.s32 v1, v10;
	v11 =	vshll.u32 v12, $0x3;
	v41 =	vsub.f32 $1.001000050e+00, v13  }
0x125: {  	v29 =	vmin.f32 v29, $1.023000000e+03;
	v16 =	vmin.f32 v16, $1.023000000e+03;
	v18 =	vmin.f32 v18, $1.023000000e+03  }
0x126: {  	v34 =	vand.u32 $0xFFFFFC00, v11;
	v29 =	vtrunc.f32 v29;
	v15 =	vmax.f32 v15, $0.0e+00  }
0x127: {  	v16 =	vtrunc.f32 v16;
	v18 =	vtrunc.f32 v18;
	v10 =	vshll.u32 v22, $0x3  }
0x128: {  	v22 =	vand.u32 $0x7F, v22;
	v55 =	vor.u32 v38, v34;
	v44 =	vsub.f32 $1.001000050e+00, v14  }
0x129: {  	v12 =	vld.idx.msk [tilespmem:v8+s14+$0xFFFFFFE0 ss:$0x1], $0xffff;
	v34 =	vmul.f32 v41, v56;
	v29 =	vcvt.f32.s32 v29;
	v15 =	vmin.f32 v15, $1.023000000e+03  }
0x12a: {  	v42 =	vld.idx.msk [tilespmem:v9+s14+$0xFFFFFFD0 ss:$0x1], $0xffff;
	v27 =	vcvt.f32.s32 v16;
	v18 =	vcvt.f32.s32 v18;
	v33 =	vand.u32 $0xFFFFFC00, v10  }
0x12b: {  	v59 =	vld.idx.msk [tilespmem:v9+s14+$0x10 ss:$0x1], $0xffff;
	v23 =	vtrunc.f32 v15;
	v22 =	vor.u32 v22, v33;
	v33 =	vadd.s32 v1, v55  }
0x12c: {  	v28 =	vld.idx.msk [tilespmem:v9+s14+$0xFFFFFFF0 ss:$0x1], $0xffff;
	v34 =	vadd.f32 $4.000000000e+00, v34;
	v61 =	vshll.u32 v29, $0x3;
	v29 =	vand.u32 $0x7F, v29  }
0x12d: {  	v16 =	vld.idx.msk [tilespmem:v8+s14+$0xFFFFFFA0 ss:$0x1], $0xffff;
	v23 =	vcvt.f32.s32 v23;
	v31 =	vshll.u32 v27, $0x3;
	v32 =	vshll.u32 v18, $0x3  }
0x12e: {  	v10 =	vld.idx.msk [tilespmem:v8+s14+$0xFFFFFFC0 ss:$0x1], $0xffff;
	v27 =	vand.u32 $0x7F, v27;
	v18 =	vand.u32 $0x7F, v18;
	v58 =	vsub.f32 $1.001000050e+00, v12  }
0x12f: {  	v15 =	vld.idx.msk [tilespmem:v8+s14+$0xFFFFFF90 ss:$0x1], $0xffff;
	v22 =	vadd.s32 v1, v22;
	v38 =	vand.u32 $0xFFFFFC00, v61;
	v31 =	vand.u32 $0xFFFFFC00, v31  }
0x130: {  	[tilespmem:v24+s19+$0x0] =	vst.idx.add.f32.msk $0xffff, v2;
	v32 =	vand.u32 $0xFFFFFC00, v32;
	v29 =	vor.u32 v29, v38;
	v24 =	vmul.f32 $1.280000000e+02, v34  }
0x131: {  	v39 =	vld.idx.msk [tilespmem:v9+s14+$0xFFFFFFC0 ss:$0x1], $0xffff;
	v11 =	vshll.u32 v23, $0x3;
	v23 =	vand.u32 $0x7F, v23;
	v32 =	vor.u32 v18, v32  }
0x132: {  	v29 =	vadd.s32 v1, v29;
	v36 =	vand.u32 $0xFFFFFC00, v11;
	v11 =	vld.idx.msk [tilespmem:v8+s14+$0xFFFFFFD0 ss:$0x1], $0xffff;
	v40 =	vsub.f32 $1.001000050e+00, v16  }
0x133: {  	v35 =	vmul.f32 v58, v59;
	v43 =	vsub.f32 $1.001000050e+00, v10;
	v18 =	vor.u32 v23, v36;
	v23 =	vld.idx.msk [tilespmem:v9+s14+$0x20 ss:$0x1], $0xffff  }
0x134: {  	v31 =	vor.u32 v27, v31;
	v37 =	vsub.f32 $1.001000050e+00, v15;
	v60 =	vmul.f32 v40, v42  }
0x135: {  	v27 =	vld.idx.msk [tilespmem:v9+s14+$0x0 ss:$0x1], $0xffff;
	v24 =	vmax.f32 v24, $0.0e+00;
	v35 =	vadd.f32 $4.000000000e+00, v35;
	v28 =	vmul.f32 v43, v28  }
0x136: {  	v24 =	vmin.f32 v24, $1.023000000e+03;
	v37 =	vmul.f32 v37, v39;
	v36 =	vadd.f32 $4.000000000e+00, v60  }
0x137: {  	v62 =	vmul.f32 $1.280000000e+02, v35;
	v28 =	vadd.f32 $4.000000000e+00, v28;
	[tilespmem:v29+s19+$0x0] =	vst.idx.add.f32.msk $0xffff, v2;
	v57 =	vsub.f32 $1.001000050e+00, v11  }
0x138: {  	v37 =	vadd.f32 $4.000000000e+00, v37;
	[tilespmem:s14+$0xCB80] =	vst.add.f32.msk $0xffff, v26;
	v26 =	vtrunc.f32 v24;
	v23 =	vmul.f32 v44, v23  }
0x139: {  	v25 =	vadd.s32 v1, v25;
	v36 =	vmul.f32 $1.280000000e+02, v36;
	v28 =	vmul.f32 $1.280000000e+02, v28  }
0x13a: {  	[tilespmem:v22+s19+$0x0] =	vst.idx.add.f32.msk $0xffff, v2;
	v27 =	vmul.f32 v57, v27;
	v37 =	vmul.f32 $1.280000000e+02, v37;
	v23 =	vadd.f32 $4.000000000e+00, v23  }
0x13b: {  	[tilespmem:s26+$0xC800] =	vst.add.f32.msk $0xffff, v20;
	v22 =	vmax.f32 v36, $0.0e+00;
	v20 =	vmax.f32 v28, $0.0e+00;
	v28 =	vmax.f32 v62, $0.0e+00  }
0x13c: {  	[tilespmem:s26+$0xCB80] =	vst.add.f32.msk $0xffff, v21;
	v27 =	vadd.f32 $4.000000000e+00, v27;
	v21 =	vmax.f32 v37, $0.0e+00;
	v22 =	vmin.f32 v22, $1.023000000e+03  }
0x13d: {  	[tilespmem:v33+s19+$0x0] =	vst.idx.add.f32.msk $0xffff, v2;
	v20 =	vmin.f32 v20, $1.023000000e+03;
	v23 =	vmul.f32 $1.280000000e+02, v23;
	v21 =	vmin.f32 v21, $1.023000000e+03  }
0x13e: {  	[tilespmem:s26+$0xC880] =	vst.add.f32.msk $0xffff, v19;
	v27 =	vmul.f32 $1.280000000e+02, v27;
	v19 =	vtrunc.f32 v21;
	v21 =	vmin.f32 v28, $1.023000000e+03  }
0x13f: {  	v28 =	vtrunc.f32 v22;
	v22 =	vadd.s32 v1, v31;
	v23 =	vmax.f32 v23, $0.0e+00  }
0x140: {  	v24 =	vtrunc.f32 v21;
	v21 =	vadd.s32 v1, v32;
	v27 =	vmax.f32 v27, $0.0e+00  }
0x141: {  	[tilespmem:v25+s19+$0x0] =	vst.idx.add.f32.msk $0xffff, v2;
	v29 =	vmin.f32 v23, $1.023000000e+03;
	v63 =	vmin.f32 v27, $1.023000000e+03;
	v27 =	vtrunc.f32 v20  }
0x142: {  	s22 =	simm.s32 $0x8;
	s23 =	simm.s32 $0x2000;
	[tilespmem:s26+$0xC900] =	vst.add.f32.msk $0xffff, v17;
	v23 =	vadd.s32 v1, v30;
	v20 =	vtrunc.f32 v29;
	v25 =	vtrunc.f32 v63  }
.LBB2_12:
0x143: {  	s10 =	sshra.s32 s23, $0x2;
	v29 =	vcvt.f32.s32 v19;
	v28 =	vcvt.f32.s32 v28;
	v19 =	vadd.s32 v1, v18  }
0x144: {  	s22 =	sadd.s32 $0x8, s22;
	v18 =	vcvt.f32.s32 v26;
	v26 =	vcvt.f32.s32 v27;
	v17 =	vld.idx.msk [tilespmem:v8+s10+$0x0 ss:$0x1], $0xffff  }
0x145: {  	v25 =	vcvt.f32.s32 v25;
	v31 =	vcvt.f32.s32 v24;
	p1 =	slt.u32 s22, $0x18;
	v27 =	vld.idx.msk [tilespmem:v8+s10+$0xFFFFFF90 ss:$0x1], $0xffff;
	v30 =	vshll.u32 v29, $0x3  }
0x146: {  	v34 =	vcvt.f32.s32 v20;
	v24 =	vshll.u32 v28, $0x3;
	v33 =	vshll.u32 v18, $0x3;
	v32 =	vld.idx.msk [tilespmem:v9+s10+$0x30 ss:$0x1], $0xffff  }
0x147: {  	v36 =	vshll.u32 v26, $0x3;
	v37 =	vshll.u32 v25, $0x3;
	v38 =	vshll.u32 v31, $0x3;
	v35 =	vld.idx.msk [tilespmem:v8+s10+$0xFFFFFFA0 ss:$0x1], $0xffff  }
0x148: {  	v30 =	vand.u32 $0xFFFFFC00, v30;
	v39 =	vand.u32 $0xFFFFFC00, v24;
	v24 =	vshll.u32 v34, $0x3;
	v20 =	vld.idx.msk [tilespmem:v8+s10+$0xFFFFFFB0 ss:$0x1], $0xffff  }
0x149: {  	v33 =	vand.u32 $0xFFFFFC00, v33;
	v36 =	vand.u32 $0xFFFFFC00, v36;
	v37 =	vand.u32 $0xFFFFFC00, v37;
	v40 =	vld.idx.msk [tilespmem:v8+s10+$0xFFFFFFC0 ss:$0x1], $0xffff  }
0x14a: {  	v38 =	vand.u32 $0xFFFFFC00, v38;
	v43 =	vand.u32 $0xFFFFFC00, v24;
	v42 =	vsub.f32 $1.001000050e+00, v17;
	v41 =	vld.idx.msk [tilespmem:v8+s10+$0xFFFFFFD0 ss:$0x1], $0xffff  }
0x14b: {  	v29 =	vand.u32 $0x7F, v29;
	v28 =	vand.u32 $0x7F, v28;
	v44 =	vsub.f32 $1.001000050e+00, v27;
	v45 =	vld.idx.msk [tilespmem:v8+s10+$0xFFFFFFE0 ss:$0x1], $0xffff  }
0x14c: {  	v18 =	vand.u32 $0x7F, v18;
	v26 =	vand.u32 $0x7F, v26;
	v32 =	vmul.f32 v42, v32;
	v24 =	vld.idx.msk [tilespmem:v8+s10+$0xFFFFFFF0 ss:$0x1], $0xffff  }
0x14d: {  	v25 =	vand.u32 $0x7F, v25;
	v31 =	vand.u32 $0x7F, v31;
	v46 =	vsub.f32 $1.001000050e+00, v35;
	v42 =	vld.idx.msk [tilespmem:v9+s10+$0xFFFFFFC0 ss:$0x1], $0xffff  }
0x14e: {  	v34 =	vand.u32 $0x7F, v34;
	v48 =	vsub.f32 $1.001000050e+00, v20;
	v32 =	vadd.f32 $4.000000000e+00, v32;
	v47 =	vld.idx.msk [tilespmem:v9+s10+$0xFFFFFFD0 ss:$0x1], $0xffff  }
0x14f: {  	v29 =	vor.u32 v29, v30;
	v28 =	vor.u32 v28, v39;
	v50 =	vsub.f32 $1.001000050e+00, v40;
	v49 =	vld.idx.msk [tilespmem:v9+s10+$0xFFFFFFE0 ss:$0x1], $0xffff  }
0x150: {  	v33 =	vor.u32 v18, v33;
	v39 =	vsub.f32 $1.001000050e+00, v41;
	v32 =	vmul.f32 $1.280000000e+02, v32;
	v30 =	vld.idx.msk [tilespmem:v9+s10+$0xFFFFFFF0 ss:$0x1], $0xffff  }
0x151: {  	v36 =	vor.u32 v26, v36;
	v37 =	vor.u32 v25, v37;
	v52 =	vsub.f32 $1.001000050e+00, v45;
	v51 =	vld.idx.msk [tilespmem:v9+s10+$0x0 ss:$0x1], $0xffff  }
0x152: {  	v31 =	vor.u32 v31, v38;
	v26 =	vsub.f32 $1.001000050e+00, v24;
	v18 =	vmax.f32 v32, $0.0e+00;
	v25 =	vld.idx.msk [tilespmem:v9+s10+$0x10 ss:$0x1], $0xffff  }
0x153: {  	v32 =	vmul.f32 v44, v42;
	v42 =	vmin.f32 v18, $1.023000000e+03;
	v18 =	vor.u32 v34, v43;
	v38 =	vld.idx.msk [tilespmem:v9+s10+$0x20 ss:$0x1], $0xffff  }
0x154: {  	v29 =	vadd.s32 v1, v29;
	v34 =	vmul.f32 v46, v47;
	v42 =	vtrunc.f32 v42;
	[tilespmem:v23+s19+$0x0] =	vst.idx.add.f32.msk $0xffff, v2  }
0x155: {  	v23 =	vadd.f32 $4.000000000e+00, v32;
	v32 =	vmul.f32 v48, v49;
	v42 =	vcvt.f32.s32 v42;
	[tilespmem:s26+$0xC980] =	vst.add.f32.msk $0xffff, v7;
	v7 =	vmovc v10;
	v10 =	vmovc v40  }
0x156: {  	v28 =	vadd.s32 v1, v28;
	v34 =	vadd.f32 $4.000000000e+00, v34;
	v30 =	vmul.f32 v50, v30;
	[tilespmem:v22+s19+$0x0] =	vst.idx.add.f32.msk $0xffff, v2  }
0x157: {  	v22 =	vadd.f32 $4.000000000e+00, v32;
	v32 =	vmul.f32 v39, v51;
	v39 =	vshll.u32 v42, $0x3;
	[tilespmem:s26+$0xCA00] =	vst.add.f32.msk $0xffff, v6;
	v6 =	vmovc v11;
	v11 =	vmovc v41  }
0x158: {  	v40 =	vand.u32 $0x7F, v42;
	v25 =	vmul.f32 v52, v25;
	v39 =	vand.u32 $0xFFFFFC00, v39;
	[tilespmem:v21+s19+$0x0] =	vst.idx.add.f32.msk $0xffff, v2  }
0x159: {  	v21 =	vadd.f32 $4.000000000e+00, v30;
	v26 =	vmul.f32 v26, v38;
	v30 =	vor.u32 v40, v39;
	[tilespmem:v29+s19+$0x0] =	vst.idx.add.f32.msk $0xffff, v2  }
0x15a: {  	v29 =	vadd.f32 $4.000000000e+00, v32;
	v25 =	vadd.f32 $4.000000000e+00, v25;
	v30 =	vadd.s32 v1, v30;
	[tilespmem:s14+$0xC800] =	vst.add.f32.msk $0xffff, v15;
	v15 =	vmovc v27  }
0x15b: {  	v23 =	vmul.f32 $1.280000000e+02, v23;
	v27 =	vmul.f32 $1.280000000e+02, v34;
	v26 =	vadd.f32 $4.000000000e+00, v26;
	[tilespmem:v28+s19+$0x0] =	vst.idx.add.f32.msk $0xffff, v2  }
0x15c: {  	v22 =	vmul.f32 $1.280000000e+02, v22;
	v21 =	vmul.f32 $1.280000000e+02, v21;
	v28 =	vadd.s32 v1, v33;
	[tilespmem:s14+$0xC880] =	vst.add.f32.msk $0xffff, v16;
	v16 =	vmovc v35  }
0x15d: {  	v23 =	vmax.f32 v23, $0.0e+00;
	v29 =	vmul.f32 $1.280000000e+02, v29;
	v25 =	vmul.f32 $1.280000000e+02, v25;
	[tilespmem:s26+$0xCA80] =	vst.add.f32.msk $0xffff, v5;
	v5 =	vmovc v12;
	v12 =	vmovc v45  }
0x15e: {  	v22 =	vmax.f32 v22, $0.0e+00;
	v27 =	vmax.f32 v27, $0.0e+00;
	v26 =	vmul.f32 $1.280000000e+02, v26;
	[tilespmem:v19+s19+$0x0] =	vst.idx.add.f32.msk $0xffff, v2  }
0x15f: {  	v25 =	vmax.f32 v25, $0.0e+00;
	v19 =	vmax.f32 v21, $0.0e+00;
	v21 =	vmax.f32 v29, $0.0e+00;
	[tilespmem:v30+s19+$0x0] =	vst.idx.add.f32.msk $0xffff, v2  }
0x160: {  	v23 =	vmin.f32 v23, $1.023000000e+03;
	v27 =	vmin.f32 v27, $1.023000000e+03;
	v26 =	vmax.f32 v26, $0.0e+00;
	[tilespmem:s10+$0xCB80] =	vst.add.f32.msk $0xffff, v17  }
.Ltmp6:
0x161: {  	v21 =	vmin.f32 v21, $1.023000000e+03;
	v17 =	vmin.f32 v22, $1.023000000e+03;
	v22 =	vmin.f32 v19, $1.023000000e+03;
	[tilespmem:v28+s19+$0x0] =	vst.idx.add.f32.msk $0xffff, v2;
	(pc) =	sbr.rel @p1 .LBB2_12-.Ltmp6, $4  }
0x162: {  	v29 =	vmin.f32 v25, $1.023000000e+03;
	v30 =	vmin.f32 v26, $1.023000000e+03;
	v19 =	vtrunc.f32 v23;
	[tilespmem:s14+$0xC900] =	vst.add.f32.msk $0xffff, v13;
	v13 =	vmovc v20  }
0x163: {  	v23 =	vadd.s32 v1, v36;
	v28 =	vtrunc.f32 v27;
	v26 =	vtrunc.f32 v17;
	[tilespmem:s26+$0xCB00] =	vst.add.f32.msk $0xffff, v4;
	v4 =	vmovc v14;
	v14 =	vmovc v24;
	s26 =	smov.u32 s14;
	s14 =	smov.u32 s10  }
0x164: {  	v25 =	vtrunc.f32 v21;
	v27 =	vtrunc.f32 v22;
	v22 =	vadd.s32 v1, v37  }
0x165: {  	s23 =	sadd.s32 $0x1000, s23;
	v21 =	vadd.s32 v1, v31;
	v20 =	vtrunc.f32 v30;
	v24 =	vtrunc.f32 v29  }
0x166: {  	_ =	sdelay $0x1  }
0x167: {  	v8 =	vcvt.f32.s32 v19;
	v9 =	vcvt.f32.s32 v28  }
0x168: {  	v49 =	vcvt.f32.s32 v26;
	v52 =	vcvt.f32.s32 v27;
	v18 =	vadd.s32 v1, v18  }
0x169: {  	[tilespmem:v23+s19+$0x0] =	vst.idx.add.f32.msk $0xffff, v2;
	v17 =	vshll.u32 v8, $0x3;
	v8 =	vand.u32 $0x7F, v8;
	v47 =	vshll.u32 v9, $0x3  }
0x16a: {  	[tilespmem:v22+s19+$0x0] =	vst.idx.add.f32.msk $0xffff, v2;
	v9 =	vand.u32 $0x7F, v9;
	v55 =	vshll.u32 v52, $0x3;
	v17 =	vand.u32 $0xFFFFFC00, v17  }
0x16b: {  	[tilespmem:s26+$0xCA00] =	vst.add.f32.msk $0xffff, v6;
	v6 =	vand.u32 $0x7F, v52;
	v48 =	vand.u32 $0xFFFFFC00, v47;
	v8 =	vor.u32 v8, v17  }
0x16c: {  	[tilespmem:v21+s19+$0x0] =	vst.idx.add.f32.msk $0xffff, v2;
	v56 =	vand.u32 $0xFFFFFC00, v55;
	v9 =	vor.u32 v9, v48;
	v8 =	vadd.s32 v1, v8  }
0x16d: {  	[tilespmem:s26+$0xC980] =	vst.add.f32.msk $0xffff, v7;
	v6 =	vor.u32 v6, v56;
	v50 =	vadd.s32 v1, v9  }
0x16e: {  	v57 =	vcvt.f32.s32 v24;
	[tilespmem:s26+$0xCA80] =	vst.add.f32.msk $0xffff, v5;
	v51 =	vshll.u32 v49, $0x3;
	v5 =	vadd.s32 v1, v6  }
0x16f: {  	v53 =	vand.u32 $0x7F, v49;
	v9 =	vand.u32 $0xFFFFFC00, v51;
	[tilespmem:v18+s19+$0x0] =	vst.idx.add.f32.msk $0xffff, v2  }
0x170: {  	v54 =	vcvt.f32.s32 v25;
	v61 =	vshll.u32 v57, $0x3;
	v9 =	vor.u32 v53, v9;
	[tilespmem:s26+$0xCB00] =	vst.add.f32.msk $0xffff, v4  }
0x171: {  	v7 =	vand.u32 $0x7F, v57;
	v62 =	vand.u32 $0xFFFFFC00, v61;
	v9 =	vadd.s32 v1, v9;
	[tilespmem:v8+s19+$0x0] =	vst.idx.add.f32.msk $0xffff, v2  }
0x172: {  	v7 =	vor.u32 v7, v62;
	[tilespmem:v50+s19+$0x0] =	vst.idx.add.f32.msk $0xffff, v2  }
0x173: {  	v60 =	vcvt.f32.s32 v20;
	v58 =	vshll.u32 v54, $0x3;
	v4 =	vadd.s32 v1, v7;
	[tilespmem:v5+s19+$0x0] =	vst.idx.add.f32.msk $0xffff, v2  }
0x174: {  	v59 =	vand.u32 $0xFFFFFC00, v58;
	v8 =	vand.u32 $0x7F, v54;
	[tilespmem:s14+$0xC800] =	vst.add.f32.msk $0xffff, v15  }
0x175: {  	v63 =	vshll.u32 v60, $0x3;
	[tilespmem:s14+$0xC880] =	vst.add.f32.msk $0xffff, v16;
	v8 =	vor.u32 v8, v59  }
0x176: {  	v6 =	vand.u32 $0x7F, v60;
	[tilespmem:v9+s19+$0x0] =	vst.idx.add.f32.msk $0xffff, v2;
	v8 =	vadd.s32 v1, v8;
	v9 =	vand.u32 $0xFFFFFC00, v63  }
0x177: {  	[tilespmem:s14+$0xC980] =	vst.add.f32.msk $0xffff, v10;
	v6 =	vor.u32 v6, v9  }
0x178: {  	s24 =	sadd.s32 $0x1, s24;
	[tilespmem:v4+s19+$0x0] =	vst.idx.add.f32.msk $0xffff, v2;
	v5 =	vadd.s32 v1, v6  }
0x179: {  	p1 =	sne.s32 s24, $0x10;
	[tilespmem:s14+$0xCA80] =	vst.add.f32.msk $0xffff, v12  }
.Ltmp7:
0x17a: {  	[tilespmem:s14+$0xC900] =	vst.add.f32.msk $0xffff, v13;
	(pc) =	sbr.rel @p1 .LBB2_11-.Ltmp7, $4  }
0x17b: {  	[tilespmem:v8+s19+$0x0] =	vst.idx.add.f32.msk $0xffff, v2  }
0x17c: {  	[tilespmem:s14+$0xCA00] =	vst.add.f32.msk $0xffff, v11  }
0x17d: {  	[tilespmem:v5+s19+$0x0] =	vst.idx.add.f32.msk $0xffff, v2  }
0x17e: {  	s3 =	sadd.s32 $0x200, s3;
	s0 =	sadd.s32 $0x1, s0;
	[tilespmem:s14+$0xCB00] =	vst.add.f32.msk $0xffff, v14  }
0x17f: {  	s31 =	sadd.s32 $0x1, s31  }
0x180: {  	p1 =	sne.s32 s31, $0x8  }
.Ltmp8:
0x181: {  	_ = 	snop;
	(pc) =	sbr.rel @p1 .LBB2_6-.Ltmp8, $1  }
0x182: {  	_ =	sdelay $0x3  }
0x183: {  	v4 =	vld [tilespmem:$0xC800];
	_ =	sdelay $0x1  }
0x184: {  	v5 =	vld [tilespmem:$0xC880];
	_ =	sdelay $0x1  }
0x185: {  	v6 =	vld [tilespmem:$0xC900]  }
0x186: {  	v4 =	vadd.f32 $0.0e+00, v4  }
0x187: {  	v7 =	vld [tilespmem:$0xC980]  }
0x188: {  	v4 =	vadd.f32 v5, v4  }
0x189: {  	v5 =	vld [tilespmem:$0xCA00]  }
0x18a: {  	v4 =	vadd.f32 v6, v4  }
0x18b: {  	v6 =	vld [tilespmem:$0xCA80]  }
0x18c: {  	v4 =	vadd.f32 v7, v4  }
0x18d: {  	v7 =	vld [tilespmem:$0xCB00]  }
0x18e: {  	v4 =	vadd.f32 v5, v4  }
0x18f: {  	v5 =	vld [tilespmem:$0xCB80]  }
0x190: {  	v4 =	vadd.f32 v6, v4  }
0x191: {  	v6 =	vld [tilespmem:$0xCC00]  }
0x192: {  	v4 =	vadd.f32 v7, v4  }
0x193: {  	v7 =	vld [tilespmem:$0xCC80]  }
0x194: {  	v4 =	vadd.f32 v5, v4  }
0x195: {  	v5 =	vld [tilespmem:$0xCD00]  }
0x196: {  	v4 =	vadd.f32 v6, v4  }
0x197: {  	v6 =	vld [tilespmem:$0xCD80]  }
0x198: {  	v4 =	vadd.f32 v7, v4  }
0x199: {  	v7 =	vld [tilespmem:$0xCE00]  }
0x19a: {  	v4 =	vadd.f32 v5, v4  }
0x19b: {  	v5 =	vld [tilespmem:$0xCE80]  }
0x19c: {  	v4 =	vadd.f32 v6, v4  }
0x19d: {  	v6 =	vld [tilespmem:$0xCF00]  }
0x19e: {  	v4 =	vadd.f32 v7, v4  }
0x19f: {  	v7 =	vld [tilespmem:$0xCF80]  }
0x1a0: {  	v4 =	vadd.f32 v5, v4  }
0x1a1: {  	v5 =	vld [tilespmem:$0xD000]  }
0x1a2: {  	v4 =	vadd.f32 v6, v4  }
0x1a3: {  	v6 =	vld [tilespmem:$0xD080]  }
0x1a4: {  	v4 =	vadd.f32 v7, v4  }
0x1a5: {  	v7 =	vld [tilespmem:$0xD100]  }
0x1a6: {  	v4 =	vadd.f32 v5, v4  }
0x1a7: {  	v5 =	vld [tilespmem:$0xD180]  }
0x1a8: {  	v4 =	vadd.f32 v6, v4  }
0x1a9: {  	v6 =	vld [tilespmem:$0xD200]  }
0x1aa: {  	v4 =	vadd.f32 v7, v4  }
0x1ab: {  	v7 =	vld [tilespmem:$0xD280]  }
0x1ac: {  	v4 =	vadd.f32 v5, v4  }
0x1ad: {  	v5 =	vld [tilespmem:$0xD300]  }
0x1ae: {  	v4 =	vadd.f32 v6, v4  }
0x1af: {  	v6 =	vld [tilespmem:$0xD380]  }
0x1b0: {  	v4 =	vadd.f32 v7, v4  }
0x1b1: {  	v7 =	vld [tilespmem:$0xD400]  }
0x1b2: {  	v4 =	vadd.f32 v5, v4  }
0x1b3: {  	v5 =	vld [tilespmem:$0xD480]  }
0x1b4: {  	v4 =	vadd.f32 v6, v4  }
0x1b5: {  	v6 =	vld [tilespmem:$0xD500]  }
0x1b6: {  	v4 =	vadd.f32 v7, v4  }
0x1b7: {  	v7 =	vld [tilespmem:$0xD580]  }
0x1b8: {  	v4 =	vadd.f32 v5, v4  }
0x1b9: {  	v5 =	vld [tilespmem:$0xD600]  }
0x1ba: {  	v4 =	vadd.f32 v6, v4  }
0x1bb: {  	v6 =	vld [tilespmem:$0xD680]  }
0x1bc: {  	v4 =	vadd.f32 v7, v4  }
0x1bd: {  	v7 =	vld [tilespmem:$0xD700]  }
0x1be: {  	v4 =	vadd.f32 v5, v4  }
0x1bf: {  	v5 =	vld [tilespmem:$0xD780]  }
0x1c0: {  	v4 =	vadd.f32 v6, v4;
	_ =	sdelay $0x1  }
0x1c1: {  	v4 =	vadd.f32 v7, v4  }
0x1c2: {  	s3 =	simm.s32 $0x0;
	s10 =	simm.s32 $0x0  }
0x1c3: {  	s0 =	sand.u32 $0x60, s10;
	s3 =	sand.u32 $0x1C00, s3;
	v4 =	vadd.f32 v5, v4  }
0x1c4: {  	s11 =	sor.u32 $0x8000, s3;
	s22 =	sor.u32 $0x10, s0  }
0x1c5: {  	s14 =	sor.u32 s22, s11;
	[tilespmem:$0xDC00] =	vst v4  }
0x1c6: {  	v4 =	vld [tilespmem:s14+$0x0]  }
0x1c7: {  	s11 =	sor.u32 s0, s11;
	v5 =	vld [tilespmem:s14+$0x80]  }
0x1c8: {  	v6 =	vld [tilespmem:s11+$0x0]  }
0x1c9: {  	v7 =	vld [tilespmem:s14+$0x100]  }
0x1ca: {  	v8 =	vld [tilespmem:s11+$0x80]  }
0x1cb: {  	v9 =	vld [tilespmem:s14+$0x180]  }
0x1cc: {  	v10 =	vld [tilespmem:s11+$0x100]  }
0x1cd: {  	v11 =	vld [tilespmem:s14+$0x200]  }
0x1ce: {  	v12 =	vld [tilespmem:s11+$0x180]  }
0x1cf: {  	v13 =	vld [tilespmem:s14+$0x280]  }
0x1d0: {  	v14 =	vld [tilespmem:s11+$0x200]  }
0x1d1: {  	v15 =	vld [tilespmem:s14+$0x300]  }
0x1d2: {  	v16 =	vld [tilespmem:s11+$0x280]  }
0x1d3: {  	s23 =	sadd.s32 $0xA400, s3;
	v17 =	vld [tilespmem:s14+$0x380]  }
0x1d4: {  	s26 =	sor.u32 s22, s23;
	v18 =	vld [tilespmem:s11+$0x300]  }
0x1d5: {  	s24 =	sadd.s32 $0xA480, s3;
	v19 =	vld [tilespmem:s26+$0x0]  }
0x1d6: {  	s30 =	sor.u32 s22, s24;
	v20 =	vld [tilespmem:s11+$0x380]  }
0x1d7: {  	s31 =	sor.u32 s0, s23;
	v21 =	vld [tilespmem:s30+$0x0]  }
0x1d8: {  	s4 =	sadd.s32 $0xA500, s3;
	s24 =	sor.u32 s0, s24;
	v22 =	vld [tilespmem:s31+$0x0]  }
0x1d9: {  	s14 =	sor.u32 s22, s4;
	v24 =	vld [tilespmem:s24+$0x0]  }
0x1da: {  	s26 =	sadd.s32 $0xA580, s3;
	s31 =	sor.u32 s0, s4;
	v23 =	vld [tilespmem:s14+$0x0]  }
0x1db: {  	s4 =	sadd.s32 $0xA600, s3;
	s30 =	sor.u32 s22, s26;
	v26 =	vld [tilespmem:s31+$0x0]  }
0x1dc: {  	s14 =	sor.u32 s22, s4;
	v25 =	vld [tilespmem:s30+$0x0]  }
0x1dd: {  	s24 =	sor.u32 s0, s26;
	v27 =	vld [tilespmem:s14+$0x0]  }
0x1de: {  	s26 =	sadd.s32 $0xA680, s3;
	s31 =	sor.u32 s0, s4;
	v28 =	vld [tilespmem:s24+$0x0]  }
0x1df: {  	s4 =	sadd.s32 $0xA700, s3;
	s30 =	sor.u32 s22, s26;
	v30 =	vld [tilespmem:s31+$0x0]  }
0x1e0: {  	s14 =	sor.u32 s22, s4;
	v29 =	vld [tilespmem:s30+$0x0]  }
0x1e1: {  	s24 =	sor.u32 s0, s26;
	s26 =	sadd.s32 $0xA780, s3;
	v31 =	vld [tilespmem:s14+$0x0];
	v4 =	vadd.f32 v5, v4  }
0x1e2: {  	s14 =	simm.s32 $0x20;
	s30 =	sor.u32 s22, s26;
	v5 =	vadd.f32 v8, v6;
	v6 =	vld [tilespmem:s24+$0x0];
	s24 =	simm.s32 $0x100  }
0x1e3: {  	s28 =	sor.u32 s0, s4;
	s3 =	sand.u32 $0x60, s14;
	v8 =	vld [tilespmem:s30+$0x0];
	s23 =	sand.u32 $0x1C00, s24;
	v4 =	vadd.f32 v7, v4  }
0x1e4: {  	s31 =	sor.u32 s0, s26;
	s0 =	sor.u32 $0x10, s3;
	v5 =	vadd.f32 v10, v5;
	s4 =	sor.u32 $0x8000, s23;
	v7 =	vld [tilespmem:s28+$0x0]  }
0x1e5: {  	v10 =	vld [tilespmem:s31+$0x0];
	s28 =	sor.u32 s0, s4;
	v4 =	vadd.f32 v9, v4  }
0x1e6: {  	v5 =	vadd.f32 v12, v5;
	v9 =	vld [tilespmem:s28+$0x0]  }
0x1e7: {  	v42 =	vld [tilespmem:s28+$0x80];
	v4 =	vadd.f32 v11, v4  }
0x1e8: {  	s26 =	sor.u32 s3, s4;
	v43 =	vld [tilespmem:s28+$0x100];
	v5 =	vadd.f32 v14, v5  }
0x1e9: {  	v44 =	vld [tilespmem:s26+$0x80];
	v4 =	vadd.f32 v13, v4  }
0x1ea: {  	v11 =	vld [tilespmem:s26+$0x0];
	v5 =	vadd.f32 v16, v5  }
0x1eb: {  	v45 =	vld [tilespmem:s28+$0x180];
	v4 =	vadd.f32 v15, v4  }
0x1ec: {  	v46 =	vld [tilespmem:s26+$0x100];
	v9 =	vadd.f32 v42, v9;
	v5 =	vadd.f32 v18, v5  }
0x1ed: {  	v47 =	vld [tilespmem:s28+$0x200];
	v4 =	vadd.f32 v17, v4  }
0x1ee: {  	v48 =	vld [tilespmem:s26+$0x180];
	v9 =	vadd.f32 v43, v9;
	v5 =	vadd.f32 v20, v5  }
0x1ef: {  	v49 =	vld [tilespmem:s28+$0x280];
	v11 =	vadd.f32 v44, v11;
	v4 =	vadd.f32 v19, v4  }
0x1f0: {  	v50 =	vld [tilespmem:s26+$0x200];
	v9 =	vadd.f32 v45, v9;
	v5 =	vadd.f32 v22, v5  }
0x1f1: {  	v51 =	vld [tilespmem:s28+$0x300];
	v11 =	vadd.f32 v46, v11;
	v4 =	vadd.f32 v21, v4  }
0x1f2: {  	v52 =	vld [tilespmem:s26+$0x280];
	v9 =	vadd.f32 v47, v9;
	v5 =	vadd.f32 v24, v5  }
0x1f3: {  	s31 =	sadd.s32 $0xA400, s23;
	v53 =	vld [tilespmem:s28+$0x380];
	v11 =	vadd.f32 v48, v11;
	v4 =	vadd.f32 v23, v4  }
0x1f4: {  	v54 =	vld [tilespmem:s26+$0x300];
	s28 =	sor.u32 s0, s31;
	v9 =	vadd.f32 v49, v9;
	v5 =	vadd.f32 v26, v5  }
0x1f5: {  	s30 =	sadd.s32 $0xA480, s23;
	v55 =	vld [tilespmem:s28+$0x0];
	v11 =	vadd.f32 v50, v11;
	v4 =	vadd.f32 v25, v4  }
0x1f6: {  	s4 =	sor.u32 s0, s30;
	v56 =	vld [tilespmem:s26+$0x380];
	v9 =	vadd.f32 v51, v9;
	v5 =	vadd.f32 v28, v5  }
0x1f7: {  	v57 =	vld [tilespmem:s4+$0x0];
	s28 =	sadd.s32 $0xA500, s23;
	s26 =	sor.u32 s3, s31;
	v11 =	vadd.f32 v52, v11;
	v4 =	vadd.f32 v27, v4  }
0x1f8: {  	s31 =	sor.u32 s0, s28;
	v58 =	vld [tilespmem:s26+$0x0];
	v9 =	vadd.f32 v53, v9;
	v5 =	vadd.f32 v30, v5  }
0x1f9: {  	s4 =	sor.u32 s3, s30;
	s30 =	sadd.s32 $0xA580, s23;
	v59 =	vld [tilespmem:s31+$0x0];
	v11 =	vadd.f32 v54, v11;
	v4 =	vadd.f32 v29, v4  }
0x1fa: {  	v60 =	vld [tilespmem:s4+$0x0];
	s31 =	sor.u32 s0, s30;
	v5 =	vadd.f32 v6, v5;
	v6 =	vadd.f32 v55, v9  }
0x1fb: {  	s4 =	sor.u32 s3, s28;
	s28 =	sadd.s32 $0xA600, s23;
	v9 =	vadd.f32 v56, v11;
	v11 =	vld [tilespmem:s31+$0x0];
	v61 =	vadd.f32 v31, v4  }
0x1fc: {  	v62 =	vld [tilespmem:s4+$0x0];
	s26 =	sor.u32 s0, s28;
	v5 =	vadd.f32 v7, v5;
	v7 =	vadd.f32 v57, v6  }
0x1fd: {  	s4 =	sadd.s32 $0xA680, s23;
	s31 =	sor.u32 s3, s30;
	v9 =	vadd.f32 v58, v9;
	v4 =	vld [tilespmem:s26+$0x0]  }
0x1fe: {  	s10 =	sand.u32 $0x380, s10;
	v6 =	vld [tilespmem:s31+$0x0];
	s26 =	sor.u32 s0, s4;
	v8 =	vadd.f32 v8, v61;
	v12 =	vadd.f32 v59, v7  }
0x1ff: {  	s22 =	sor.u32 s22, s10;
	s28 =	sor.u32 s3, s28;
	s31 =	sadd.s32 $0xA700, s23;
	v10 =	vadd.f32 v10, v5;
	v63 =	vadd.f32 v60, v9;
	v5 =	vld [tilespmem:s26+$0x0]  }
0x200: {  	s10 =	simm.s32 $0xD800;
	s30 =	sor.u32 s0, s31;
	s11 =	sor.u32 s3, s31;
	v7 =	vld [tilespmem:s28+$0x0];
	[tilespmem:s22+$0xD800] =	vst v8;
	v9 =	vadd.f32 v11, v12  }
0x201: {  	s26 =	sor.u32 s3, s4;
	s28 =	sadd.s32 $0xA780, s23;
	[tilespmem:s10+$0x0] =	vst v10;
	v10 =	vadd.f32 v62, v63;
	v8 =	vld [tilespmem:s30+$0x0];
	s22 =	simm.s32 $0x20  }
.LBB2_16:
0x202: {  	s14 =	sadd.s32 $0x20, s14;
	v11 =	vld [tilespmem:s26+$0x0];
	v4 =	vadd.f32 v4, v9;
	s26 =	sor.u32 s0, s28;
	s24 =	sadd.s32 $0x100, s24  }
0x203: {  	s28 =	sor.u32 s3, s28;
	s23 =	sand.u32 $0x1C00, s24;
	v6 =	vadd.f32 v6, v10;
	s3 =	sand.u32 $0x60, s14;
	v9 =	vld [tilespmem:s26+$0x0]  }
0x204: {  	p1 =	slt.u32 s14, $0x3E0;
	s26 =	sor.u32 $0x8000, s23;
	s30 =	sor.u32 $0x10, s3;
	v10 =	vld [tilespmem:s11+$0x0];
	v4 =	vadd.f32 v5, v4  }
0x205: {  	s11 =	sor.u32 s3, s26;
	s26 =	sor.u32 s30, s26;
	v5 =	vadd.f32 v7, v6;
	v6 =	vld [tilespmem:s28+$0x0]  }
0x206: {  	v7 =	vld [tilespmem:s26+$0x0];
	v4 =	vadd.f32 v8, v4  }
0x207: {  	v8 =	vld [tilespmem:s26+$0x80];
	v5 =	vadd.f32 v11, v5  }
0x208: {  	s28 =	sand.u32 $0x380, s22;
	s22 =	smov.u32 s14;
	v11 =	vld [tilespmem:s11+$0x0];
	v4 =	vadd.f32 v9, v4  }
0x209: {  	s28 =	sor.u32 s0, s28;
	s0 =	smov.u32 s30;
	v9 =	vld [tilespmem:s26+$0x100];
	v5 =	vadd.f32 v10, v5  }
0x20a: {  	v10 =	vld [tilespmem:s11+$0x80];
	[tilespmem:s28+$0xD800] =	vst v4  }
0x20b: {  	v4 =	vld [tilespmem:s26+$0x180];
	v5 =	vadd.f32 v6, v5  }
0x20c: {  	s10 =	sadd.s32 $0x20, s10;
	v6 =	vld [tilespmem:s11+$0x100];
	v7 =	vadd.f32 v8, v7  }
0x20d: {  	v8 =	vld [tilespmem:s26+$0x200];
	[tilespmem:s10+$0x0] =	vst v5  }
0x20e: {  	v5 =	vld [tilespmem:s11+$0x180];
	v7 =	vadd.f32 v9, v7  }
0x20f: {  	v9 =	vadd.f32 v10, v11;
	v10 =	vld [tilespmem:s26+$0x280]  }
0x210: {  	v11 =	vld [tilespmem:s11+$0x200];
	v4 =	vadd.f32 v4, v7  }
0x211: {  	v6 =	vadd.f32 v6, v9;
	v7 =	vld [tilespmem:s26+$0x300]  }
0x212: {  	v9 =	vld [tilespmem:s11+$0x280];
	v4 =	vadd.f32 v8, v4  }
0x213: {  	s28 =	sadd.s32 $0xA400, s23;
	v5 =	vadd.f32 v5, v6;
	v6 =	vld [tilespmem:s26+$0x380]  }
0x214: {  	s26 =	sor.u32 s3, s28;
	s28 =	sor.u32 s0, s28;
	v8 =	vld [tilespmem:s11+$0x300];
	v4 =	vadd.f32 v10, v4  }
0x215: {  	s30 =	sadd.s32 $0xA480, s23;
	v5 =	vadd.f32 v11, v5;
	v10 =	vld [tilespmem:s28+$0x0]  }
0x216: {  	s28 =	sor.u32 s0, s30;
	v11 =	vld [tilespmem:s11+$0x380];
	s11 =	sor.u32 s3, s30;
	v4 =	vadd.f32 v7, v4  }
0x217: {  	s30 =	sadd.s32 $0xA500, s23;
	v5 =	vadd.f32 v9, v5;
	v7 =	vld [tilespmem:s28+$0x0]  }
0x218: {  	s28 =	sor.u32 s0, s30;
	v9 =	vld [tilespmem:s26+$0x0];
	s26 =	sor.u32 s3, s30;
	v4 =	vadd.f32 v6, v4  }
0x219: {  	s30 =	sadd.s32 $0xA580, s23;
	v5 =	vadd.f32 v8, v5;
	v8 =	vld [tilespmem:s28+$0x0]  }
0x21a: {  	s28 =	sor.u32 s0, s30;
	v12 =	vld [tilespmem:s11+$0x0];
	s11 =	sor.u32 s3, s30;
	v4 =	vadd.f32 v10, v4  }
0x21b: {  	s30 =	sadd.s32 $0xA600, s23;
	v5 =	vadd.f32 v11, v5;
	v10 =	vld [tilespmem:s28+$0x0]  }
0x21c: {  	s28 =	sor.u32 s3, s30;
	v11 =	vld [tilespmem:s26+$0x0];
	v7 =	vadd.f32 v7, v4;
	s26 =	sor.u32 s0, s30  }
.Ltmp9:
0x21d: {  	s30 =	sadd.s32 $0xA680, s23;
	v5 =	vadd.f32 v9, v5;
	v4 =	vld [tilespmem:s26+$0x0];
	(pc) =	sbr.rel @p1 .LBB2_16-.Ltmp9, $4  }
0x21e: {  	s26 =	sor.u32 s3, s30;
	v6 =	vld [tilespmem:s11+$0x0];
	v8 =	vadd.f32 v8, v7;
	s11 =	sor.u32 s0, s30  }
0x21f: {  	s30 =	sadd.s32 $0xA700, s23;
	v12 =	vadd.f32 v12, v5;
	v5 =	vld [tilespmem:s11+$0x0]  }
0x220: {  	s11 =	sor.u32 s3, s30;
	s30 =	sor.u32 s0, s30;
	v7 =	vld [tilespmem:s28+$0x0];
	v9 =	vadd.f32 v10, v8  }
0x221: {  	s28 =	sadd.s32 $0xA780, s23;
	v10 =	vadd.f32 v11, v12;
	v8 =	vld [tilespmem:s30+$0x0]  }
0x222: {  	v11 =	vld [tilespmem:s26+$0x0]  }
0x223: {  	v6 =	vadd.f32 v6, v10  }
0x224: {  	v4 =	vadd.f32 v4, v9;
	s14 =	sor.u32 s0, s28;
	v62 =	vld [tilespmem:s11+$0x0]  }
0x225: {  	s3 =	sor.u32 s3, s28;
	v63 =	vld [tilespmem:s14+$0x0];
	v6 =	vadd.f32 v7, v6  }
0x226: {  	v4 =	vadd.f32 v5, v4;
	v5 =	vld [tilespmem:s3+$0x0]  }
0x227: {  	v6 =	vadd.f32 v11, v6  }
0x228: {  	v4 =	vadd.f32 v8, v4  }
.Ltmp10:
0x229: {  	v6 =	vadd.f32 v62, v6;
	(pc) =	sbr.rel @!p0 .LBB2_18-.Ltmp10, $4  }
0x22a: {  	s28 =	sand.u32 $0x380, s22;
	v4 =	vadd.f32 v63, v4  }
0x22b: {  	s30 =	sor.u32 s0, s28;
	v5 =	vadd.f32 v5, v6  }
0x22c: {  	s31 =	sadd.s32 $0x20, s10;
	[tilespmem:s30+$0xD800] =	vst v4  }
0x22d: {  	[tilespmem:s31+$0x0] =	vst v5  }
0x22e: {  	s4 =	smov.u32 s8  }
0x22f: {  	[bflag:$0x0] =	sbarrier.arrive $0xFFFF;
	s3 =	simm.s32 $0x80;
	s8 =	simm.s32 $0x400  }
0x230: {  	s10 =	simm.s32 $0xDC80;
	s11 =	simm.s32 $0x5;
	s0 =	rddreg [dreg:$0x6]  }
0x231: {  	[tilespmem:s10], [sflag:$0x5] =	stream.strided.gather [spmem:s0], $0x480, s8, s3, $0x38;
	[tilespmem:$0xE590] =	vst v63  }
0x232: {  	_ =	swait.ge [sflag:s11], $0x480  }
0x233: {  	[sflag:s11] =	ssyncset.done $0x0  }
0x234: {  	[sflag:s11] =	ssyncadd.s32 $0xFFFFFB80  }
0x235: {  	v4 =	vld [tilespmem:$0xDC00]  }
0x236: {  	v5 =	vld [tilespmem:$0xE080];
	_ =	sdelay $0x4  }
0x237: {  	v4 =	vadd.f32 v5, v4;
	_ =	sdelay $0x1  }
0x238: {  	(xrf2) =	vadd.scan.msk.f32 $0xffff, v4;
	_ =	sdelay $0x5  }
0x239: {  	s14 =	simm.s32 $0xE070  }
0x23a: {  	s12 =	simm.s32 $0xDBF0;
	v5 =	vld [tilespmem:s14+$0x0]  }
0x23b: {  	v4 =	vld [tilespmem:s12+$0x0]  }
0x23c: {  	s23 =	simm.s32 $0xE060  }
0x23d: {  	s22 =	simm.s32 $0xDBE0;
	v7 =	vld [tilespmem:s23+$0x0];
	v6, _, _ =	vpop (xrf2)  }
0x23e: {  	(v2sf) =	vpush v6, $0xF;
	v6 =	vld [tilespmem:s22+$0x0];
	_ =	sdelay $0x1  }
0x23f: {  	v4 =	vadd.f32 v5, v4;
	_ =	sdelay $0x1  }
0x240: {  	v5 =	vperm.xlane v4, v3  }
0x241: {  	(xrf2) =	vadd.scan.msk.f32 $0xffff, v4;
	v4 =	vadd.f32 v7, v6  }
0x242: {  	(xrf2) =	vadd.scan.msk.f32 $0xffff, v5  }
0x243: {  	(xrf2) =	vadd.scan.msk.f32 $0xffff, v4;
	_ =	sdelay $0x2  }
0x244: {  	s24 =	simm.s32 $0xDBD0  }
0x245: {  	s26 =	simm.s32 $0xE050;
	v5 =	vld [tilespmem:s24+$0x0]  }
0x246: {  	v6 =	vld [tilespmem:s26+$0x0];
	v4 =	vperm.xlane v4, v3;
	_ =	sdelay $0x2  }
0x247: {  	v7, _, _ =	vpop (xrf2)  }
0x248: {  	(xrf2) =	vadd.scan.msk.f32 $0xffff, v4;
	(v2sf) =	vpush v7, $0xF;
	v4, _, _ =	vpop (xrf2)  }
0x249: {  	v5 =	vadd.f32 v6, v5;
	s3 =	spop (v2sf);
	v6, _, _ =	vpop (xrf2)  }
0x24a: {  	s0 =	scvt.f32.s32 s3;
	(v2sf) =	vpush v6, $0xF;
	_ =	sdelay $0x1  }
0x24b: {  	s13 =	smov.u32 s7;
	s7 =	simm.f32 $0.0e+00;
	s0 =	scvt.s32.f32 s0  }
0x24c: {  	v6 =	vadd.f32 s7, v4  }
0x24d: {  	v4 =	vmov s0  }
0x24e: {  	(xrf2) =	vadd.scan.msk.f32 $0xffff, v5;
	v5 =	vperm.xlane v5, v3;
	vm0 =	vge.f32 v6, v4  }
0x24f: {  	v6 =	vmctz.xlane vm0  }
0x250: {  	s10 =	simm.s32 $0xE040;
	(xrf2) =	vadd.scan.msk.f32 $0xffff, v5  }
0x251: {  	s8 =	simm.s32 $0xDBC0;
	v5 =	vld [tilespmem:s10+$0x0];
	v6 =	vxor.u32 $0x80000000, v6  }
0x252: {  	(xrf0) =	vmax.scan.msk.u32 $0xffff, v6;
	v6 =	vld [tilespmem:s8+$0x0];
	_ =	sdelay $0x3  }
0x253: {  	s14 =	spop (v2sf)  }
0x254: {  	s12 =	simm.s32 $0xE030;
	v7, _, _ =	vpop (xrf2);
	s0 =	sadd.f32 s14, s7;
	v5 =	vadd.f32 v5, v6  }
0x255: {  	s11 =	simm.s32 $0xDBB0;
	v9 =	vld [tilespmem:s12+$0x0];
	v8, _, _ =	vpop (xrf2);
	s22 =	spop (v2sf)  }
0x256: {  	(v2sf) =	vpush v8, $0xF;
	v8 =	vld [tilespmem:s11+$0x0];
	v6 =	vperm.xlane v5, v3;
	(xrf2) =	vadd.scan.msk.f32 $0xffff, v5;
	v5 =	vadd.f32 s0, v7;
	s0 =	sadd.f32 s22, s0  }
0x257: {  	v7, _, _ =	vpop (xrf2)  }
0x258: {  	vm13 =	vge.f32 v5, v4;
	v5 =	vadd.f32 s0, v7  }
0x259: {  	v10, _, _ =	vpop (xrf0)  }
0x25a: {  	(v2sf) =	vpush v10, $0xF;
	vm14 =	vge.f32 v5, v4  }
0x25b: {  	(xrf2) =	vadd.scan.msk.f32 $0xffff, v6;
	v6 =	vadd.f32 v9, v8;
	v7 =	vmctz.xlane vm13;
	v8 =	vmctz.xlane vm14;
	_ =	sdelay $0x1  }
0x25c: {  	(xrf2) =	vadd.scan.msk.f32 $0xffff, v6;
	v5 =	vxor.u32 $0x80000000, v7;
	v8 =	vxor.u32 $0x80000000, v8  }
0x25d: {  	(xrf0) =	vmax.scan.msk.u32 $0xffff, v5  }
0x25e: {  	s23 =	simm.s32 $0xDBA0  }
0x25f: {  	s24 =	simm.s32 $0xE020;
	v7 =	vld [tilespmem:s23+$0x0];
	(xrf0) =	vmax.scan.msk.u32 $0xffff, v8;
	v8, _, _ =	vpop (xrf2)  }
0x260: {  	v5 =	vld [tilespmem:s24+$0x0];
	(v2sf) =	vpush v8, $0xF;
	_ =	sdelay $0x1  }
0x261: {  	v6 =	vperm.xlane v6, v3  }
0x262: {  	v62, _, _ =	vpop (xrf0)  }
0x263: {  	(xrf2) =	vadd.scan.msk.f32 $0xffff, v6;
	(v2sf) =	vpush v62, $0xF  }
0x264: {  	v5 =	vadd.f32 v5, v7;
	v7, _, _ =	vpop (xrf2)  }
0x265: {  	s28 =	simm.s32 $0xDB90;
	s26 =	spop (v2sf);
	v6, _, _ =	vpop (xrf2)  }
0x266: {  	s30 =	simm.s32 $0xE010;
	s3 =	simm.s32 $0x8000039F;
	s26 =	sadd.f32 s26, s0;
	(xrf2) =	vadd.scan.msk.f32 $0xffff, v5;
	(v2sf) =	vpush v6, $0xF;
	v63, _, _ =	vpop (xrf0)  }
0x267: {  	s10 =	simm.s32 $0x800003AF;
	s14 =	simm.s32 $0x800003BF;
	v8 =	vperm.xlane v5, v3;
	v5 =	vld [tilespmem:s28+$0x0];
	s11 =	spop (v2sf);
	(v2sf) =	vpush v63, $0xF  }
0x268: {  	s22 =	simm.s32 $0x800003CF;
	s23 =	simm.s32 $0x800003DF;
	v7 =	vadd.f32 s26, v7;
	v6 =	vld [tilespmem:s30+$0x0]  }
0x269: {  	p1 =	por $0x1, $0x1;
	s24 =	simm.s32 $0x800003EF;
	s31 =	sxor.u32 $0x80000000, s11  }
0x26a: {  	vm15 =	vge.f32 v7, v4;
	s12 =	ssub.s32 $0x800003FF, s11;
	p2 =	slt.s32 s31, $0x10;
	s31 =	simm.s32 $0xFFFFFFFF  }
0x26b: {  	s0 =	simm.s32 $0xFFFFFFFF;
	s11 =	simm.s32 $0x8000038F;
	(xrf2) =	vadd.scan.msk.f32 $0xffff, v8;
	v7 =	vmctz.xlane vm15;
	s31 =	smov.u32 @p2 s12  }
.LBB2_20:
0x26c: {  	p2 =	sne.s32 s11, $0x8000000F;
	s0 =	smov.u32 @p1 s31;
	s12 =	smov.u32 s10  }
0x26d: {  	v5 =	vadd.f32 v6, v5;
	v8, _, _ =	vpop (xrf2);
	v6 =	vxor.u32 $0x80000000, v7;
	s10 =	smov.u32 s3;
	s3 =	smov.u32 s11;
	s11 =	sadd.s32 $0xFFFFFFF0, s11  }
0x26e: {  	(xrf0) =	vmax.scan.msk.u32 $0xffff, v6;
	s31 =	spop (v2sf)  }
0x26f: {  	s28 =	sadd.s32 $0xFFFFFFF0, s28;
	v9 =	vperm.xlane v5, v3;
	(xrf2) =	vadd.scan.msk.f32 $0xffff, v5;
	s26 =	sadd.f32 s31, s26  }
0x270: {  	s30 =	sadd.s32 $0xFFFFFFF0, s30;
	v5 =	vld [tilespmem:s28+$0x0];
	v7, _, _ =	vpop (xrf2)  }
0x271: {  	v6 =	vld [tilespmem:s30+$0x0];
	(v2sf) =	vpush v7, $0xF;
	v7 =	vadd.f32 s26, v8  }
.Ltmp11:
0x272: {  	s31 =	spop (v2sf);
	(pc) =	sbr.rel @p2 .LBB2_20-.Ltmp11, $4  }
0x273: {  	s7 =	sxor.u32 $0x80000000, s31  }
0x274: {  	vm0 =	vge.f32 v7, v4;
	s8 =	ssub.s32 s24, s31;
	s24 =	smov.u32 s23;
	s23 =	smov.u32 s22  }
0x275: {  	s22 =	smov.u32 s14;
	s31 =	smov.u32 s0;
	v7 =	vmctz.xlane vm0;
	v8, _, _ =	vpop (xrf0);
	p3 =	slt.s32 s7, $0x10  }
0x276: {  	p1 =	slt.s32 s0, $0x0;
	s14 =	smov.u32 s12;
	(xrf2) =	vadd.scan.msk.f32 $0xffff, v9;
	(v2sf) =	vpush v8, $0xF;
	s31 =	smov.u32 @p3 s8  }
0x277: {  	_ = 	snop  }
0x278: {  	v8, _, _ =	vpop (xrf2)  }
0x279: {  	v9, _, _ =	vpop (xrf2)  }
0x27a: {  	(v2sf) =	vpush v9, $0xF;
	_ =	sdelay $0x2  }
0x27b: {  	v5 =	vadd.f32 v6, v5;
	_ =	sdelay $0x1  }
0x27c: {  	s7 =	spop (v2sf);
	v6 =	vperm.xlane v5, v3  }
0x27d: {  	s7 =	sadd.f32 s7, s26;
	(xrf2) =	vadd.scan.msk.f32 $0xffff, v5  }
0x27e: {  	(xrf2) =	vadd.scan.msk.f32 $0xffff, v6  }
0x27f: {  	v5 =	vadd.f32 s7, v8  }
0x280: {  	s8 =	spop (v2sf)  }
0x281: {  	s11 =	spop (v2sf)  }
0x282: {  	s7 =	sadd.f32 s11, s7  }
0x283: {  	vm0 =	vge.f32 v5, v4;
	v5, _, _ =	vpop (xrf2)  }
0x284: {  	v5 =	vadd.f32 s7, v5  }
0x285: {  	s30 =	spop (v2sf)  }
0x286: {  	v60 =	vxor.u32 $0x80000000, v7;
	s12 =	spop (v2sf)  }
0x287: {  	(xrf0) =	vmax.scan.msk.u32 $0xffff, v60;
	v61 =	vmctz.xlane vm0;
	v62, _, _ =	vpop (xrf2);
	s7 =	sadd.f32 s12, s7  }
0x288: {  	vm14 =	vge.f32 v5, v4;
	v5, _, _ =	vpop (xrf2)  }
0x289: {  	v6 =	vxor.u32 $0x80000000, v61;
	v5 =	vadd.f32 s7, v5  }
0x28a: {  	(xrf0) =	vmax.scan.msk.u32 $0xffff, v6;
	v63 =	vmctz.xlane vm14  }
0x28b: {  	vm15 =	vge.f32 v5, v4  }
0x28c: {  	v6 =	vxor.u32 $0x80000000, v63;
	v5 =	vmctz.xlane vm15  }
0x28d: {  	v4, _, _ =	vpop (xrf0);
	(xrf0) =	vmax.scan.msk.u32 $0xffff, v6  }
0x28e: {  	(v2sf) =	vpush v4, $0xF  }
0x28f: {  	v4 =	vxor.u32 $0x80000000, v5  }
0x290: {  	(v2sf) =	vpush v62, $0xF;
	v5, _, _ =	vpop (xrf0);
	(xrf0) =	vmax.scan.msk.u32 $0xffff, v4  }
0x291: {  	(v2sf) =	vpush v5, $0xF;
	_ =	sdelay $0x1  }
0x292: {  	v4, _, _ =	vpop (xrf0)  }
0x293: {  	(v2sf) =	vpush v4, $0xF;
	_ =	sdelay $0x1  }
0x294: {  	v4, _, _ =	vpop (xrf0)  }
0x295: {  	s0 =	smov.u32 @p1 s31;
	s12 =	sxor.u32 $0x80000000, s8;
	(v2sf) =	vpush v4, $0xF  }
0x296: {  	s8 =	ssub.s32 s24, s8;
	p1 =	slt.s32 s12, $0x10;
	s7 =	smov.u32 s0  }
0x297: {  	p2 =	slt.s32 s0, $0x0;
	s7 =	smov.u32 @p1 s8  }
0x298: {  	s26 =	sxor.u32 $0x80000000, s30;
	s0 =	smov.u32 @p2 s7  }
0x299: {  	s8 =	ssub.s32 s23, s30;
	p1 =	slt.s32 s26, $0x10;
	s7 =	smov.u32 s0  }
0x29a: {  	p2 =	slt.s32 s0, $0x0;
	s7 =	smov.u32 @p1 s8  }
0x29b: {  	s0 =	smov.u32 @p2 s7;
	s28 =	spop (v2sf)  }
0x29c: {  	s7 =	smov.u32 s0;
	s30 =	sxor.u32 $0x80000000, s28  }
0x29d: {  	s8 =	ssub.s32 s22, s28;
	s31 =	spop (v2sf);
	p1 =	slt.s32 s30, $0x10  }
0x29e: {  	p2 =	slt.s32 s0, $0x0;
	s7 =	smov.u32 @p1 s8;
	s11 =	spop (v2sf)  }
0x29f: {  	s0 =	smov.u32 @p2 s7;
	s12 =	sxor.u32 $0x80000000, s11  }
0x2a0: {  	s7 =	smov.u32 s0;
	s8 =	ssub.s32 s14, s11;
	p1 =	slt.s32 s12, $0x10  }
0x2a1: {  	p2 =	slt.s32 s0, $0x0;
	s22 =	spop (v2sf);
	s7 =	smov.u32 @p1 s8  }
0x2a2: {  	s23 =	sxor.u32 $0x80000000, s22;
	s0 =	smov.u32 @p2 s7  }
0x2a3: {  	s8 =	ssub.s32 s10, s22;
	p1 =	slt.s32 s23, $0x10;
	s7 =	smov.u32 s0  }
0x2a4: {  	p2 =	slt.s32 s0, $0x0;
	s7 =	smov.u32 @p1 s8;
	s24 =	spop (v2sf)  }
0x2a5: {  	s0 =	smov.u32 @p2 s7;
	s26 =	sxor.u32 $0x80000000, s24  }
0x2a6: {  	s3 =	ssub.s32 s3, s24;
	p1 =	slt.s32 s26, $0x10;
	s7 =	smov.u32 s0  }
0x2a7: {  	p2 =	slt.s32 s0, $0x0;
	s7 =	smov.u32 @p1 s3  }
0x2a8: {  	s0 =	smov.u32 @p2 s7  }
0x2a9: {  	p1 =	sgt.s32 s0, $0x0  }
0x2aa: {  	s0 =	simm.s32 @!p1 $0x0  }
0x2ab: {  	s0 =	scvt.s32.f32 s0;
	_ =	sdelay $0x1  }
0x2ac: {  	s0 =	smul.f32 $7.812500000e-03, s0;
	_ =	sdelay $0x1  }
0x2ad: {  	s0 =	sadd.f32 $-4.000000000e+00, s0;
	_ =	sdelay $0x1  }
0x2ae: {  	s28 =	rddreg [dreg:$0x7];
	s30 =	simm.s32 $0xE100;
	v4 =	vmov s0  }
.Ltmp12:
0x2af: {  	s31 =	simm.s32 $0x5;
	s12 =	simm.s32 $0x0;
	[tilespmem:$0xE100] =	vst v4;
	(pc) =	sbr.rel .LBB2_22-.Ltmp12, $4  }
0x2b0: {  	[hbm4b:s28+s12] =	stream.linear.scatter [tilespmem:s30], [sflag:$0x5], $0x80, $0x38;
	[tilespmem:$0xE590] =	vst v63  }
0x2b1: {  	_ =	swait.ge [sflag:s31], $0x80  }
0x2b2: {  	s8 =	smov.u32 s4;
	[sflag:s31] =	ssyncset.done $0x0  }
0x2b3: {  	s7 =	smov.u32 s13;
	s13 =	simm.s32 $0x2000;
	[sflag:s31] =	ssyncadd.s32 $0xFFFFFF80  }
.LBB2_23:
0x2b4: {  	_ =	sfence.sel $0x180000  }
0x2b5: {  	[bflag:$0x0] =	sbarrier.arrive $0xFFFF  }
0x2b6: {  	_ =	strace $0x90000047  }
0x2b7: {  	s0 =	stileid.u32;
	[bflag:$0x2] =	sbarrier.arrive $0xFFFF  }
0x2b8: {  	p0 =	sne.s32 s0, $0x0;
	s0 =	rddreg [dreg:$0x4]  }
0x2b9: {  	s0 =	sadd.s32 @!p0 $0x100000, s0  }
0x2ba: {  	[sflag:s0] =	ssyncadd.tile.s32 @!p0 $0x1;
	_ =	shalt  }
.Lfunc_end2:
_tile_overlayer_lowered:
.L_overlay_start_2:
0x2bb: {  	(tag) =	ssettag $0x2  }
0x2bc: {  	s0 =	rddreg [dreg:$0x0];
	s2 =	stileid.u32  }
0x2bd: {  	s1 =	rddreg [dreg:$0x1];
	p0 =	sne.s32 s2, $0x0  }
0x2be: {  	s3 =	rddreg [dreg:$0x2];
	[bflag:$0x3] =	sbarrier.arrive $0xFFFF;
	s2 =	simm.s32 @!p0 $0x1C05  }
0x2bf: {  	[timem:s3], [sflag:s2] =	dma.local @!p0 [hbm:s0], s1  }
0x2c0: {  	s0 =	simm.s32 @!p0 $0x5  }
0x2c1: {  	_ =	swait.ge @!p0 [sflag:s0], s1  }
0x2c2: {  	s1 =	ssub.s32 @!p0 $0x0, s1;
	[sflag:s0] =	ssyncset.done @!p0 $0x0  }
0x2c3: {  	[sflag:s0] =	ssyncadd.s32 @!p0 s1  }
0x2c4: {  	[bflag:$0x3] =	sbarrier.arrive $0xFFFF  }
0x2c5: {  	_ =	shalt  }

</sc_bundles>
